<compile_context>
chip_gen: v7x
topology: tpu7x:2x2x1
jax: 0.10.2.dev20260603
libtpu: 0.0.44.dev20260713+nightly
codegen_flags: <defaults>
</compile_context>

<pallas_src>
import functools

import jax
import jax.numpy as jnp
from jax import lax
from jax.experimental import pallas as pl
from jax.experimental.pallas import tpu as pltpu
from jax.experimental.pallas import tpu_sc as plsc

B, T = 1024, 200
V, D = 100, 128
N = B * T
NC, NS = 2, 16
NW = NC * NS
PER_W = N // NW
CH = 128
NCHUNK = PER_W // CH
NBUF = 5
VP = 128


@functools.partial(
    pl.kernel,
    mesh=plsc.VectorSubcoreMesh(core_axis_name="c", subcore_axis_name="s"),
    out_type=jax.ShapeDtypeStruct((N, D), jnp.float32),
    scratch_types=[
        pltpu.VMEM((NCHUNK, CH), jnp.int32),
        pltpu.VMEM((NBUF, CH, D), jnp.float32),
        pltpu.VMEM_SHARED((V, D), jnp.float32),
    ]
    + [pltpu.SemaphoreType.DMA] * (2 * NBUF),
)
def _emb_lookup(idx_hbm, table_hbm, out_hbm, idx_v, rows_v, table_sh, *sems):
    gsem, ssem = sems[:NBUF], sems[NBUF:]
    cid = lax.axis_index("c")
    sid = lax.axis_index("s")
    wid = sid * NC + cid
    base = wid * PER_W
    @pl.when(sid == 0)
    def _stage():
        pltpu.sync_copy(table_hbm, table_sh)

    pltpu.sync_copy(idx_hbm.at[wid], idx_v)
    my_table = table_sh
    plsc.subcore_barrier()

    def gather(chunk, b):
        return pltpu.async_copy(my_table.at[idx_v.at[chunk]], rows_v.at[b], gsem[b])

    def wait_gather(b):
        pltpu.make_async_copy(
            my_table.at[idx_v.at[0]], rows_v.at[b], gsem[b]
        ).wait()

    def scatter(chunk, b):
        off = pl.multiple_of(base + chunk * CH, CH)
        return pltpu.async_copy(rows_v.at[b], out_hbm.at[pl.ds(off, CH)], ssem[b])

    def wait_scatter(b):
        pltpu.make_async_copy(
            rows_v.at[b], out_hbm.at[pl.ds(base, CH)], ssem[b]
        ).wait()

    for b in range(NBUF):
        gather(b, b)

    @pl.loop(0, NCHUNK - NBUF, step=NBUF)
    def chunks(i):
        for b in range(NBUF):
            wait_gather(b)
            scatter(i + b, b)
        for b in range(NBUF):
            wait_scatter(b)
            gather(i + b + NBUF, b)

    for b in range(NBUF):
        wait_gather(b)
        scatter(NCHUNK - NBUF + b, b)
    for b in range(NBUF):
        wait_scatter(b)


def kernel(triples, norm_vector_weight):
    idx = triples.reshape(NW, NCHUNK, CH).astype(jnp.int32)
    out = _emb_lookup(idx, norm_vector_weight)
    return out.reshape(B, T, 1, D)

# --- scband reference (transcript-rebuilt; emitter-appended) ---
"""Pipeline reference for scband-h-embedding-5763846111686 (READ-ONLY COPY).

The authoritative reference and input builder live on the scoring server;
editing this copy changes nothing except your own understanding.
"""

import jax, jax.numpy as jnp
import numpy as np

NUM_REL = 100
EMBED_DIM = 128
BATCH = 1024
NUM_TRIPLES = 200


def setup_inputs(seed: int = 0) -> dict:
    key = jax.random.key(seed)
    k_idx, k_w = jax.random.split(key)
    # relation ids for each triple in each batch entry (original code maps
    # string relation names through rel2id; here ids are supplied directly)
    triples = jax.random.randint(k_idx, (BATCH, NUM_TRIPLES), 0, NUM_REL)
    # nn.Embedding weight with xavier_uniform_ init
    bound = float(np.sqrt(6.0 / (NUM_REL + EMBED_DIM)))
    norm_vector_weight = jax.random.uniform(
        k_w, (NUM_REL, EMBED_DIM), minval=-bound, maxval=bound, dtype=jnp.float32
    )
    return {"triples": triples, "norm_vector_weight": norm_vector_weight}


def reference(triples, norm_vector_weight):
    # Original: rel_emb = [[[rel2id[t[1]]] for t in batch] for batch in triples]
    # -> LongTensor of shape [B, T, 1], then nn.Embedding lookup -> [B, T, 1, es]
    rel_ids = triples[..., None]  # [B, T, 1]
    out = jnp.take(norm_vector_weight, rel_ids, axis=0)  # [B, T, 1, es]
    return out

if __name__ == "__main__":
    import jax
    _d = setup_inputs()
    print(jax.jit(kernel)(*tuple(_d.values())))

</pallas_src>

<mosaic_0001>
#map = affine_map<(d0, d1) -> (0, 0, 0)>
#map1 = affine_map<(d0, d1) -> (0, 0)>
module attributes {stable_mosaic.version = 14 : i64} {
  func.func @_emb_lookup(%arg0: i32, %arg1: i32, %arg2: memref<32x50x128xi32, #tpu.memory_space<hbm>>, %arg3: memref<100x128xf32, #tpu.memory_space<hbm>>, %arg4: memref<204800x128xf32, #tpu.memory_space<hbm>>, %arg5: memref<50x128xi32, #tpu.memory_space<vmem>>, %arg6: memref<5x128x128xf32, #tpu.memory_space<vmem>>, %arg7: memref<100x128xf32, #tpu.memory_space<vmem_shared>>, %arg8: memref<!tpu.dma_semaphore, #tpu.memory_space<semaphore_mem>>, %arg9: memref<!tpu.dma_semaphore, #tpu.memory_space<semaphore_mem>>, %arg10: memref<!tpu.dma_semaphore, #tpu.memory_space<semaphore_mem>>, %arg11: memref<!tpu.dma_semaphore, #tpu.memory_space<semaphore_mem>>, %arg12: memref<!tpu.dma_semaphore, #tpu.memory_space<semaphore_mem>>, %arg13: memref<!tpu.dma_semaphore, #tpu.memory_space<semaphore_mem>>, %arg14: memref<!tpu.dma_semaphore, #tpu.memory_space<semaphore_mem>>, %arg15: memref<!tpu.dma_semaphore, #tpu.memory_space<semaphore_mem>>, %arg16: memref<!tpu.dma_semaphore, #tpu.memory_space<semaphore_mem>>, %arg17: memref<!tpu.dma_semaphore, #tpu.memory_space<semaphore_mem>>) attributes {dimension_semantics = [#tpu.dimension_semantics<core_parallel>, #tpu.dimension_semantics<subcore_parallel>], iteration_bounds = array<i64: 2, 16>, scalar_prefetch = 0 : i64, scratch_operands = 13 : i64, tpu.core_type = #tpu.core_type<sc_vector_subcore>, window_params = [{transform_indices = #map}, {transform_indices = #map1}, {transform_indices = #map1}]} {
    %mul3A = arith.constant 2 : i32
    %mul3A_0 = arith.muli %arg1, %mul3A : i32
    %add3A = arith.addi %mul3A_0, %arg0 : i32
    %mul3A_1 = arith.constant 6400 : i32
    %mul3A_2 = arith.muli %add3A, %mul3A_1 : i32
    %eq3A = arith.constant 0 : i32
    %eq3A_3 = arith.cmpi eq, %arg1, %eq3A : i32
    %convert_element_type3A = arith.extui %eq3A_3 : i1 to i32
    %cond3A = arith.constant 0 : i32
    %cond3A_4 = arith.cmpi ne, %convert_element_type3A, %cond3A : i32
    scf.if %cond3A_4 {
      "tpu.region"() ({
        %run_scoped3A = tpu.sem_alloc : memref<!tpu.dma_semaphore, #tpu.memory_space<semaphore_mem>>
        tpu.enqueue_dma source(%arg3 : memref<100x128xf32, #tpu.memory_space<hbm>>) target(%arg7 : memref<100x128xf32, #tpu.memory_space<vmem_shared>>) target_semaphore(%run_scoped3A : memref<!tpu.dma_semaphore, #tpu.memory_space<semaphore_mem>>)
        tpu.wait_dma2 semaphore(%run_scoped3A : memref<!tpu.dma_semaphore, #tpu.memory_space<semaphore_mem>>) src(%arg3 : memref<100x128xf32, #tpu.memory_space<hbm>>) dst(%arg7 : memref<100x128xf32, #tpu.memory_space<vmem_shared>>)
        tpu.yield
      }) : () -> ()
    } else {
    }
    "tpu.region"() ({
      %run_scoped3A = tpu.sem_alloc : memref<!tpu.dma_semaphore, #tpu.memory_space<semaphore_mem>>
      %dma_start3A_271 = arith.constant 0 : i32
      %dma_start3A_272 = arith.constant 0 : i32
      %dma_start3A_273 = tpu.memref_slice %arg2[%add3A, %dma_start3A_271, %dma_start3A_272] : memref<32x50x128xi32, #tpu.memory_space<hbm>> -> memref<1x50x128xi32, #tpu.memory_space<hbm>>
      %dma_start3A_274 = tpu.memref_squeeze %dma_start3A_273 : memref<1x50x128xi32, #tpu.memory_space<hbm>> -> memref<50x128xi32, #tpu.memory_space<hbm>>
      %dma_start3A_275 = arith.constant 0 : i32
      %dma_start3A_276 = arith.constant 0 : i32
      %dma_start3A_277 = tpu.memref_slice %arg2[%add3A, %dma_start3A_275, %dma_start3A_276] : memref<32x50x128xi32, #tpu.memory_space<hbm>> -> memref<1x50x128xi32, #tpu.memory_space<hbm>>
      %dma_start3A_278 = tpu.memref_squeeze %dma_start3A_277 : memref<1x50x128xi32, #tpu.memory_space<hbm>> -> memref<50x128xi32, #tpu.memory_space<hbm>>
      tpu.enqueue_dma source(%dma_start3A_278 : memref<50x128xi32, #tpu.memory_space<hbm>>) target(%arg5 : memref<50x128xi32, #tpu.memory_space<vmem>>) target_semaphore(%run_scoped3A : memref<!tpu.dma_semaphore, #tpu.memory_space<semaphore_mem>>)
      %dma_wait3A_279 = arith.constant 0 : i32
      %dma_wait3A_280 = arith.constant 0 : i32
      %dma_wait3A_281 = tpu.memref_slice %arg2[%add3A, %dma_wait3A_279, %dma_wait3A_280] : memref<32x50x128xi32, #tpu.memory_space<hbm>> -> memref<1x50x128xi32, #tpu.memory_space<hbm>>
      %dma_wait3A_282 = tpu.memref_squeeze %dma_wait3A_281 : memref<1x50x128xi32, #tpu.memory_space<hbm>> -> memref<50x128xi32, #tpu.memory_space<hbm>>
      %dma_wait3A_283 = arith.constant 0 : i32
      %dma_wait3A_284 = arith.constant 0 : i32
      %dma_wait3A_285 = tpu.memref_slice %arg2[%add3A, %dma_wait3A_283, %dma_wait3A_284] : memref<32x50x128xi32, #tpu.memory_space<hbm>> -> memref<1x50x128xi32, #tpu.memory_space<hbm>>
      %dma_wait3A_286 = tpu.memref_squeeze %dma_wait3A_285 : memref<1x50x128xi32, #tpu.memory_space<hbm>> -> memref<50x128xi32, #tpu.memory_space<hbm>>
      tpu.wait_dma2 semaphore(%run_scoped3A : memref<!tpu.dma_semaphore, #tpu.memory_space<semaphore_mem>>) src(%dma_wait3A_286 : memref<50x128xi32, #tpu.memory_space<hbm>>) dst(%arg5 : memref<50x128xi32, #tpu.memory_space<vmem>>)
      tpu.yield
    }) : () -> ()
    %barrier3A = arith.constant 0 : index
    tpu.barrier barrier_id(%barrier3A)
    %dma_start3A = arith.constant 0 : i32
    %dma_start3A_5 = arith.constant 0 : i32
    %dma_start3A_6 = arith.constant 0 : i32
    %dma_start3A_7 = arith.constant 0 : i32
    %dma_start3A_8 = tpu.memref_slice %arg6[%dma_start3A_5, %dma_start3A_6, %dma_start3A_7] : memref<5x128x128xf32, #tpu.memory_space<vmem>> -> memref<1x128x128xf32, #tpu.memory_space<vmem>>
    %dma_start3A_9 = tpu.memref_squeeze %dma_start3A_8 : memref<1x128x128xf32, #tpu.memory_space<vmem>> -> memref<128x128xf32, #tpu.memory_space<vmem>>
    %dma_start3A_10 = arith.constant 0 : i32
    %dma_start3A_11 = tpu.memref_slice %arg5[%dma_start3A, %dma_start3A_10] : memref<50x128xi32, #tpu.memory_space<vmem>> -> memref<1x128xi32, #tpu.memory_space<vmem>>
    %dma_start3A_12 = tpu.memref_squeeze %dma_start3A_11 : memref<1x128xi32, #tpu.memory_space<vmem>> -> memref<128xi32, #tpu.memory_space<vmem>>
    %dma_start3A_13 = arith.constant 0 : i32
    %dma_start3A_14 = arith.constant 0 : i32
    %dma_start3A_15 = tpu.memref_slice %arg7[%dma_start3A_13, %dma_start3A_14] : memref<100x128xf32, #tpu.memory_space<vmem_shared>> -> memref<100x128xf32, #tpu.memory_space<vmem_shared>>
    tpu.enqueue_indirect_dma source(%dma_start3A_15 : memref<100x128xf32, #tpu.memory_space<vmem_shared>>) target(%dma_start3A_9 : memref<128x128xf32, #tpu.memory_space<vmem>>) offsets(%dma_start3A_12 : memref<128xi32, #tpu.memory_space<vmem>>) semaphore(%arg8 : memref<!tpu.dma_semaphore, #tpu.memory_space<semaphore_mem>>)
    %dma_start3A_16 = arith.constant 1 : i32
    %dma_start3A_17 = arith.constant 1 : i32
    %dma_start3A_18 = arith.constant 0 : i32
    %dma_start3A_19 = arith.constant 0 : i32
    %dma_start3A_20 = tpu.memref_slice %arg6[%dma_start3A_17, %dma_start3A_18, %dma_start3A_19] : memref<5x128x128xf32, #tpu.memory_space<vmem>> -> memref<1x128x128xf32, #tpu.memory_space<vmem>>
    %dma_start3A_21 = tpu.memref_squeeze %dma_start3A_20 : memref<1x128x128xf32, #tpu.memory_space<vmem>> -> memref<128x128xf32, #tpu.memory_space<vmem>>
    %dma_start3A_22 = arith.constant 0 : i32
    %dma_start3A_23 = tpu.memref_slice %arg5[%dma_start3A_16, %dma_start3A_22] : memref<50x128xi32, #tpu.memory_space<vmem>> -> memref<1x128xi32, #tpu.memory_space<vmem>>
    %dma_start3A_24 = tpu.memref_squeeze %dma_start3A_23 : memref<1x128xi32, #tpu.memory_space<vmem>> -> memref<128xi32, #tpu.memory_space<vmem>>
    %dma_start3A_25 = arith.constant 0 : i32
    %dma_start3A_26 = arith.constant 0 : i32
    %dma_start3A_27 = tpu.memref_slice %arg7[%dma_start3A_25, %dma_start3A_26] : memref<100x128xf32, #tpu.memory_space<vmem_shared>> -> memref<100x128xf32, #tpu.memory_space<vmem_shared>>
    tpu.enqueue_indirect_dma source(%dma_start3A_27 : memref<100x128xf32, #tpu.memory_space<vmem_shared>>) target(%dma_start3A_21 : memref<128x128xf32, #tpu.memory_space<vmem>>) offsets(%dma_start3A_24 : memref<128xi32, #tpu.memory_space<vmem>>) semaphore(%arg9 : memref<!tpu.dma_semaphore, #tpu.memory_space<semaphore_mem>>)
    %dma_start3A_28 = arith.constant 2 : i32
    %dma_start3A_29 = arith.constant 2 : i32
    %dma_start3A_30 = arith.constant 0 : i32
    %dma_start3A_31 = arith.constant 0 : i32
    %dma_start3A_32 = tpu.memref_slice %arg6[%dma_start3A_29, %dma_start3A_30, %dma_start3A_31] : memref<5x128x128xf32, #tpu.memory_space<vmem>> -> memref<1x128x128xf32, #tpu.memory_space<vmem>>
    %dma_start3A_33 = tpu.memref_squeeze %dma_start3A_32 : memref<1x128x128xf32, #tpu.memory_space<vmem>> -> memref<128x128xf32, #tpu.memory_space<vmem>>
    %dma_start3A_34 = arith.constant 0 : i32
    %dma_start3A_35 = tpu.memref_slice %arg5[%dma_start3A_28, %dma_start3A_34] : memref<50x128xi32, #tpu.memory_space<vmem>> -> memref<1x128xi32, #tpu.memory_space<vmem>>
    %dma_start3A_36 = tpu.memref_squeeze %dma_start3A_35 : memref<1x128xi32, #tpu.memory_space<vmem>> -> memref<128xi32, #tpu.memory_space<vmem>>
    %dma_start3A_37 = arith.constant 0 : i32
    %dma_start3A_38 = arith.constant 0 : i32
    %dma_start3A_39 = tpu.memref_slice %arg7[%dma_start3A_37, %dma_start3A_38] : memref<100x128xf32, #tpu.memory_space<vmem_shared>> -> memref<100x128xf32, #tpu.memory_space<vmem_shared>>
    tpu.enqueue_indirect_dma source(%dma_start3A_39 : memref<100x128xf32, #tpu.memory_space<vmem_shared>>) target(%dma_start3A_33 : memref<128x128xf32, #tpu.memory_space<vmem>>) offsets(%dma_start3A_36 : memref<128xi32, #tpu.memory_space<vmem>>) semaphore(%arg10 : memref<!tpu.dma_semaphore, #tpu.memory_space<semaphore_mem>>)
    %dma_start3A_40 = arith.constant 3 : i32
    %dma_start3A_41 = arith.constant 3 : i32
    %dma_start3A_42 = arith.constant 0 : i32
    %dma_start3A_43 = arith.constant 0 : i32
    %dma_start3A_44 = tpu.memref_slice %arg6[%dma_start3A_41, %dma_start3A_42, %dma_start3A_43] : memref<5x128x128xf32, #tpu.memory_space<vmem>> -> memref<1x128x128xf32, #tpu.memory_space<vmem>>
    %dma_start3A_45 = tpu.memref_squeeze %dma_start3A_44 : memref<1x128x128xf32, #tpu.memory_space<vmem>> -> memref<128x128xf32, #tpu.memory_space<vmem>>
    %dma_start3A_46 = arith.constant 0 : i32
    %dma_start3A_47 = tpu.memref_slice %arg5[%dma_start3A_40, %dma_start3A_46] : memref<50x128xi32, #tpu.memory_space<vmem>> -> memref<1x128xi32, #tpu.memory_space<vmem>>
    %dma_start3A_48 = tpu.memref_squeeze %dma_start3A_47 : memref<1x128xi32, #tpu.memory_space<vmem>> -> memref<128xi32, #tpu.memory_space<vmem>>
    %dma_start3A_49 = arith.constant 0 : i32
    %dma_start3A_50 = arith.constant 0 : i32
    %dma_start3A_51 = tpu.memref_slice %arg7[%dma_start3A_49, %dma_start3A_50] : memref<100x128xf32, #tpu.memory_space<vmem_shared>> -> memref<100x128xf32, #tpu.memory_space<vmem_shared>>
    tpu.enqueue_indirect_dma source(%dma_start3A_51 : memref<100x128xf32, #tpu.memory_space<vmem_shared>>) target(%dma_start3A_45 : memref<128x128xf32, #tpu.memory_space<vmem>>) offsets(%dma_start3A_48 : memref<128xi32, #tpu.memory_space<vmem>>) semaphore(%arg11 : memref<!tpu.dma_semaphore, #tpu.memory_space<semaphore_mem>>)
    %dma_start3A_52 = arith.constant 4 : i32
    %dma_start3A_53 = arith.constant 4 : i32
    %dma_start3A_54 = arith.constant 0 : i32
    %dma_start3A_55 = arith.constant 0 : i32
    %dma_start3A_56 = tpu.memref_slice %arg6[%dma_start3A_53, %dma_start3A_54, %dma_start3A_55] : memref<5x128x128xf32, #tpu.memory_space<vmem>> -> memref<1x128x128xf32, #tpu.memory_space<vmem>>
    %dma_start3A_57 = tpu.memref_squeeze %dma_start3A_56 : memref<1x128x128xf32, #tpu.memory_space<vmem>> -> memref<128x128xf32, #tpu.memory_space<vmem>>
    %dma_start3A_58 = arith.constant 0 : i32
    %dma_start3A_59 = tpu.memref_slice %arg5[%dma_start3A_52, %dma_start3A_58] : memref<50x128xi32, #tpu.memory_space<vmem>> -> memref<1x128xi32, #tpu.memory_space<vmem>>
    %dma_start3A_60 = tpu.memref_squeeze %dma_start3A_59 : memref<1x128xi32, #tpu.memory_space<vmem>> -> memref<128xi32, #tpu.memory_space<vmem>>
    %dma_start3A_61 = arith.constant 0 : i32
    %dma_start3A_62 = arith.constant 0 : i32
    %dma_start3A_63 = tpu.memref_slice %arg7[%dma_start3A_61, %dma_start3A_62] : memref<100x128xf32, #tpu.memory_space<vmem_shared>> -> memref<100x128xf32, #tpu.memory_space<vmem_shared>>
    tpu.enqueue_indirect_dma source(%dma_start3A_63 : memref<100x128xf32, #tpu.memory_space<vmem_shared>>) target(%dma_start3A_57 : memref<128x128xf32, #tpu.memory_space<vmem>>) offsets(%dma_start3A_60 : memref<128xi32, #tpu.memory_space<vmem>>) semaphore(%arg12 : memref<!tpu.dma_semaphore, #tpu.memory_space<semaphore_mem>>)
    %scan3A = arith.constant 0 : i32
    %scan3A_64 = arith.constant 9 : i32
    %scan3A_65 = arith.addi %scan3A, %scan3A_64 : i32
    %scan3A_66 = arith.constant 1 : i32
    scf.for %scan3A_271 = %scan3A to %scan3A_65 step %scan3A_66  : i32 {
      %mul3A_272 = arith.constant 5 : i32
      %mul3A_273 = arith.muli %scan3A_271, %mul3A_272 : i32
      %add3A_274 = arith.constant 0 : i32
      %add3A_275 = arith.addi %add3A_274, %mul3A_273 : i32
      %dma_wait3A_276 = arith.constant 0 : i32
      %dma_wait3A_277 = arith.constant 0 : i32
      %dma_wait3A_278 = arith.constant 0 : i32
      %dma_wait3A_279 = arith.constant 0 : i32
      %dma_wait3A_280 = tpu.memref_slice %arg6[%dma_wait3A_277, %dma_wait3A_278, %dma_wait3A_279] : memref<5x128x128xf32, #tpu.memory_space<vmem>> -> memref<1x128x128xf32, #tpu.memory_space<vmem>>
      %dma_wait3A_281 = tpu.memref_squeeze %dma_wait3A_280 : memref<1x128x128xf32, #tpu.memory_space<vmem>> -> memref<128x128xf32, #tpu.memory_space<vmem>>
      %dma_wait3A_282 = arith.constant 0 : i32
      %dma_wait3A_283 = tpu.memref_slice %arg5[%dma_wait3A_276, %dma_wait3A_282] : memref<50x128xi32, #tpu.memory_space<vmem>> -> memref<1x128xi32, #tpu.memory_space<vmem>>
      %dma_wait3A_284 = tpu.memref_squeeze %dma_wait3A_283 : memref<1x128xi32, #tpu.memory_space<vmem>> -> memref<128xi32, #tpu.memory_space<vmem>>
      %dma_wait3A_285 = arith.constant 0 : i32
      %dma_wait3A_286 = arith.constant 0 : i32
      %dma_wait3A_287 = tpu.memref_slice %arg7[%dma_wait3A_285, %dma_wait3A_286] : memref<100x128xf32, #tpu.memory_space<vmem_shared>> -> memref<100x128xf32, #tpu.memory_space<vmem_shared>>
      tpu.wait_indirect_dma semaphore(%arg8 : memref<!tpu.dma_semaphore, #tpu.memory_space<semaphore_mem>>) src(%dma_wait3A_287 : memref<100x128xf32, #tpu.memory_space<vmem_shared>>) dst(%dma_wait3A_281 : memref<128x128xf32, #tpu.memory_space<vmem>>)
      %add3A_288 = arith.constant 0 : i32
      %add3A_289 = arith.addi %add3A_275, %add3A_288 : i32
      %mul3A_290 = arith.constant 128 : i32
      %mul3A_291 = arith.muli %add3A_289, %mul3A_290 : i32
      %add3A_292 = arith.addi %mul3A_2, %mul3A_291 : i32
      %multiple_of3A_293 = tpu.assume_multiple %add3A_292, 128 : i32
      %dma_start3A_294 = arith.constant 0 : i32
      %dma_start3A_295 = arith.constant 0 : i32
      %dma_start3A_296 = arith.constant 0 : i32
      %dma_start3A_297 = tpu.memref_slice %arg6[%dma_start3A_294, %dma_start3A_295, %dma_start3A_296] : memref<5x128x128xf32, #tpu.memory_space<vmem>> -> memref<1x128x128xf32, #tpu.memory_space<vmem>>
      %dma_start3A_298 = tpu.memref_squeeze %dma_start3A_297 : memref<1x128x128xf32, #tpu.memory_space<vmem>> -> memref<128x128xf32, #tpu.memory_space<vmem>>
      %dma_start3A_299 = arith.constant 0 : i32
      %dma_start3A_300 = tpu.memref_slice %arg4[%multiple_of3A_293, %dma_start3A_299] : memref<204800x128xf32, #tpu.memory_space<hbm>> -> memref<128x128xf32, #tpu.memory_space<hbm>>
      %dma_start3A_301 = arith.constant 0 : i32
      %dma_start3A_302 = tpu.memref_slice %arg4[%multiple_of3A_293, %dma_start3A_301] : memref<204800x128xf32, #tpu.memory_space<hbm>> -> memref<128x128xf32, #tpu.memory_space<hbm>>
      %dma_start3A_303 = arith.constant 0 : i32
      %dma_start3A_304 = arith.constant 0 : i32
      %dma_start3A_305 = tpu.memref_slice %arg6[%dma_start3A_294, %dma_start3A_303, %dma_start3A_304] : memref<5x128x128xf32, #tpu.memory_space<vmem>> -> memref<1x128x128xf32, #tpu.memory_space<vmem>>
      %dma_start3A_306 = tpu.memref_squeeze %dma_start3A_305 : memref<1x128x128xf32, #tpu.memory_space<vmem>> -> memref<128x128xf32, #tpu.memory_space<vmem>>
      tpu.enqueue_dma source(%dma_start3A_306 : memref<128x128xf32, #tpu.memory_space<vmem>>) target(%dma_start3A_302 : memref<128x128xf32, #tpu.memory_space<hbm>>) target_semaphore(%arg13 : memref<!tpu.dma_semaphore, #tpu.memory_space<semaphore_mem>>)
      %dma_wait3A_307 = arith.constant 0 : i32
      %dma_wait3A_308 = arith.constant 1 : i32
      %dma_wait3A_309 = arith.constant 0 : i32
      %dma_wait3A_310 = arith.constant 0 : i32
      %dma_wait3A_311 = tpu.memref_slice %arg6[%dma_wait3A_308, %dma_wait3A_309, %dma_wait3A_310] : memref<5x128x128xf32, #tpu.memory_space<vmem>> -> memref<1x128x128xf32, #tpu.memory_space<vmem>>
      %dma_wait3A_312 = tpu.memref_squeeze %dma_wait3A_311 : memref<1x128x128xf32, #tpu.memory_space<vmem>> -> memref<128x128xf32, #tpu.memory_space<vmem>>
      %dma_wait3A_313 = arith.constant 0 : i32
      %dma_wait3A_314 = tpu.memref_slice %arg5[%dma_wait3A_307, %dma_wait3A_313] : memref<50x128xi32, #tpu.memory_space<vmem>> -> memref<1x128xi32, #tpu.memory_space<vmem>>
      %dma_wait3A_315 = tpu.memref_squeeze %dma_wait3A_314 : memref<1x128xi32, #tpu.memory_space<vmem>> -> memref<128xi32, #tpu.memory_space<vmem>>
      %dma_wait3A_316 = arith.constant 0 : i32
      %dma_wait3A_317 = arith.constant 0 : i32
      %dma_wait3A_318 = tpu.memref_slice %arg7[%dma_wait3A_316, %dma_wait3A_317] : memref<100x128xf32, #tpu.memory_space<vmem_shared>> -> memref<100x128xf32, #tpu.memory_space<vmem_shared>>
      tpu.wait_indirect_dma semaphore(%arg9 : memref<!tpu.dma_semaphore, #tpu.memory_space<semaphore_mem>>) src(%dma_wait3A_318 : memref<100x128xf32, #tpu.memory_space<vmem_shared>>) dst(%dma_wait3A_312 : memref<128x128xf32, #tpu.memory_space<vmem>>)
      %add3A_319 = arith.constant 1 : i32
      %add3A_320 = arith.addi %add3A_275, %add3A_319 : i32
      %mul3A_321 = arith.constant 128 : i32
      %mul3A_322 = arith.muli %add3A_320, %mul3A_321 : i32
      %add3A_323 = arith.addi %mul3A_2, %mul3A_322 : i32
      %multiple_of3A_324 = tpu.assume_multiple %add3A_323, 128 : i32
      %dma_start3A_325 = arith.constant 1 : i32
      %dma_start3A_326 = arith.constant 0 : i32
      %dma_start3A_327 = arith.constant 0 : i32
      %dma_start3A_328 = tpu.memref_slice %arg6[%dma_start3A_325, %dma_start3A_326, %dma_start3A_327] : memref<5x128x128xf32, #tpu.memory_space<vmem>> -> memref<1x128x128xf32, #tpu.memory_space<vmem>>
      %dma_start3A_329 = tpu.memref_squeeze %dma_start3A_328 : memref<1x128x128xf32, #tpu.memory_space<vmem>> -> memref<128x128xf32, #tpu.memory_space<vmem>>
      %dma_start3A_330 = arith.constant 0 : i32
      %dma_start3A_331 = tpu.memref_slice %arg4[%multiple_of3A_324, %dma_start3A_330] : memref<204800x128xf32, #tpu.memory_space<hbm>> -> memref<128x128xf32, #tpu.memory_space<hbm>>
      %dma_start3A_332 = arith.constant 0 : i32
      %dma_start3A_333 = tpu.memref_slice %arg4[%multiple_of3A_324, %dma_start3A_332] : memref<204800x128xf32, #tpu.memory_space<hbm>> -> memref<128x128xf32, #tpu.memory_space<hbm>>
      %dma_start3A_334 = arith.constant 0 : i32
      %dma_start3A_335 = arith.constant 0 : i32
      %dma_start3A_336 = tpu.memref_slice %arg6[%dma_start3A_325, %dma_start3A_334, %dma_start3A_335] : memref<5x128x128xf32, #tpu.memory_space<vmem>> -> memref<1x128x128xf32, #tpu.memory_space<vmem>>
      %dma_start3A_337 = tpu.memref_squeeze %dma_start3A_336 : memref<1x128x128xf32, #tpu.memory_space<vmem>> -> memref<128x128xf32, #tpu.memory_space<vmem>>
      tpu.enqueue_dma source(%dma_start3A_337 : memref<128x128xf32, #tpu.memory_space<vmem>>) target(%dma_start3A_333 : memref<128x128xf32, #tpu.memory_space<hbm>>) target_semaphore(%arg14 : memref<!tpu.dma_semaphore, #tpu.memory_space<semaphore_mem>>)
      %dma_wait3A_338 = arith.constant 0 : i32
      %dma_wait3A_339 = arith.constant 2 : i32
      %dma_wait3A_340 = arith.constant 0 : i32
      %dma_wait3A_341 = arith.constant 0 : i32
      %dma_wait3A_342 = tpu.memref_slice %arg6[%dma_wait3A_339, %dma_wait3A_340, %dma_wait3A_341] : memref<5x128x128xf32, #tpu.memory_space<vmem>> -> memref<1x128x128xf32, #tpu.memory_space<vmem>>
      %dma_wait3A_343 = tpu.memref_squeeze %dma_wait3A_342 : memref<1x128x128xf32, #tpu.memory_space<vmem>> -> memref<128x128xf32, #tpu.memory_space<vmem>>
      %dma_wait3A_344 = arith.constant 0 : i32
      %dma_wait3A_345 = tpu.memref_slice %arg5[%dma_wait3A_338, %dma_wait3A_344] : memref<50x128xi32, #tpu.memory_space<vmem>> -> memref<1x128xi32, #tpu.memory_space<vmem>>
      %dma_wait3A_346 = tpu.memref_squeeze %dma_wait3A_345 : memref<1x128xi32, #tpu.memory_space<vmem>> -> memref<128xi32, #tpu.memory_space<vmem>>
      %dma_wait3A_347 = arith.constant 0 : i32
      %dma_wait3A_348 = arith.constant 0 : i32
      %dma_wait3A_349 = tpu.memref_slice %arg7[%dma_wait3A_347, %dma_wait3A_348] : memref<100x128xf32, #tpu.memory_space<vmem_shared>> -> memref<100x128xf32, #tpu.memory_space<vmem_shared>>
      tpu.wait_indirect_dma semaphore(%arg10 : memref<!tpu.dma_semaphore, #tpu.memory_space<semaphore_mem>>) src(%dma_wait3A_349 : memref<100x128xf32, #tpu.memory_space<vmem_shared>>) dst(%dma_wait3A_343 : memref<128x128xf32, #tpu.memory_space<vmem>>)
      %add3A_350 = arith.constant 2 : i32
      %add3A_351 = arith.addi %add3A_275, %add3A_350 : i32
      %mul3A_352 = arith.constant 128 : i32
      %mul3A_353 = arith.muli %add3A_351, %mul3A_352 : i32
      %add3A_354 = arith.addi %mul3A_2, %mul3A_353 : i32
      %multiple_of3A_355 = tpu.assume_multiple %add3A_354, 128 : i32
      %dma_start3A_356 = arith.constant 2 : i32
      %dma_start3A_357 = arith.constant 0 : i32
      %dma_start3A_358 = arith.constant 0 : i32
      %dma_start3A_359 = tpu.memref_slice %arg6[%dma_start3A_356, %dma_start3A_357, %dma_start3A_358] : memref<5x128x128xf32, #tpu.memory_space<vmem>> -> memref<1x128x128xf32, #tpu.memory_space<vmem>>
      %dma_start3A_360 = tpu.memref_squeeze %dma_start3A_359 : memref<1x128x128xf32, #tpu.memory_space<vmem>> -> memref<128x128xf32, #tpu.memory_space<vmem>>
      %dma_start3A_361 = arith.constant 0 : i32
      %dma_start3A_362 = tpu.memref_slice %arg4[%multiple_of3A_355, %dma_start3A_361] : memref<204800x128xf32, #tpu.memory_space<hbm>> -> memref<128x128xf32, #tpu.memory_space<hbm>>
      %dma_start3A_363 = arith.constant 0 : i32
      %dma_start3A_364 = tpu.memref_slice %arg4[%multiple_of3A_355, %dma_start3A_363] : memref<204800x128xf32, #tpu.memory_space<hbm>> -> memref<128x128xf32, #tpu.memory_space<hbm>>
      %dma_start3A_365 = arith.constant 0 : i32
      %dma_start3A_366 = arith.constant 0 : i32
      %dma_start3A_367 = tpu.memref_slice %arg6[%dma_start3A_356, %dma_start3A_365, %dma_start3A_366] : memref<5x128x128xf32, #tpu.memory_space<vmem>> -> memref<1x128x128xf32, #tpu.memory_space<vmem>>
      %dma_start3A_368 = tpu.memref_squeeze %dma_start3A_367 : memref<1x128x128xf32, #tpu.memory_space<vmem>> -> memref<128x128xf32, #tpu.memory_space<vmem>>
      tpu.enqueue_dma source(%dma_start3A_368 : memref<128x128xf32, #tpu.memory_space<vmem>>) target(%dma_start3A_364 : memref<128x128xf32, #tpu.memory_space<hbm>>) target_semaphore(%arg15 : memref<!tpu.dma_semaphore, #tpu.memory_space<semaphore_mem>>)
      %dma_wait3A_369 = arith.constant 0 : i32
      %dma_wait3A_370 = arith.constant 3 : i32
      %dma_wait3A_371 = arith.constant 0 : i32
      %dma_wait3A_372 = arith.constant 0 : i32
      %dma_wait3A_373 = tpu.memref_slice %arg6[%dma_wait3A_370, %dma_wait3A_371, %dma_wait3A_372] : memref<5x128x128xf32, #tpu.memory_space<vmem>> -> memref<1x128x128xf32, #tpu.memory_space<vmem>>
      %dma_wait3A_374 = tpu.memref_squeeze %dma_wait3A_373 : memref<1x128x128xf32, #tpu.memory_space<vmem>> -> memref<128x128xf32, #tpu.memory_space<vmem>>
      %dma_wait3A_375 = arith.constant 0 : i32
      %dma_wait3A_376 = tpu.memref_slice %arg5[%dma_wait3A_369, %dma_wait3A_375] : memref<50x128xi32, #tpu.memory_space<vmem>> -> memref<1x128xi32, #tpu.memory_space<vmem>>
      %dma_wait3A_377 = tpu.memref_squeeze %dma_wait3A_376 : memref<1x128xi32, #tpu.memory_space<vmem>> -> memref<128xi32, #tpu.memory_space<vmem>>
      %dma_wait3A_378 = arith.constant 0 : i32
      %dma_wait3A_379 = arith.constant 0 : i32
      %dma_wait3A_380 = tpu.memref_slice %arg7[%dma_wait3A_378, %dma_wait3A_379] : memref<100x128xf32, #tpu.memory_space<vmem_shared>> -> memref<100x128xf32, #tpu.memory_space<vmem_shared>>
      tpu.wait_indirect_dma semaphore(%arg11 : memref<!tpu.dma_semaphore, #tpu.memory_space<semaphore_mem>>) src(%dma_wait3A_380 : memref<100x128xf32, #tpu.memory_space<vmem_shared>>) dst(%dma_wait3A_374 : memref<128x128xf32, #tpu.memory_space<vmem>>)
      %add3A_381 = arith.constant 3 : i32
      %add3A_382 = arith.addi %add3A_275, %add3A_381 : i32
      %mul3A_383 = arith.constant 128 : i32
      %mul3A_384 = arith.muli %add3A_382, %mul3A_383 : i32
      %add3A_385 = arith.addi %mul3A_2, %mul3A_384 : i32
      %multiple_of3A_386 = tpu.assume_multiple %add3A_385, 128 : i32
      %dma_start3A_387 = arith.constant 3 : i32
      %dma_start3A_388 = arith.constant 0 : i32
      %dma_start3A_389 = arith.constant 0 : i32
      %dma_start3A_390 = tpu.memref_slice %arg6[%dma_start3A_387, %dma_start3A_388, %dma_start3A_389] : memref<5x128x128xf32, #tpu.memory_space<vmem>> -> memref<1x128x128xf32, #tpu.memory_space<vmem>>
      %dma_start3A_391 = tpu.memref_squeeze %dma_start3A_390 : memref<1x128x128xf32, #tpu.memory_space<vmem>> -> memref<128x128xf32, #tpu.memory_space<vmem>>
      %dma_start3A_392 = arith.constant 0 : i32
      %dma_start3A_393 = tpu.memref_slice %arg4[%multiple_of3A_386, %dma_start3A_392] : memref<204800x128xf32, #tpu.memory_space<hbm>> -> memref<128x128xf32, #tpu.memory_space<hbm>>
      %dma_start3A_394 = arith.constant 0 : i32
      %dma_start3A_395 = tpu.memref_slice %arg4[%multiple_of3A_386, %dma_start3A_394] : memref<204800x128xf32, #tpu.memory_space<hbm>> -> memref<128x128xf32, #tpu.memory_space<hbm>>
      %dma_start3A_396 = arith.constant 0 : i32
      %dma_start3A_397 = arith.constant 0 : i32
      %dma_start3A_398 = tpu.memref_slice %arg6[%dma_start3A_387, %dma_start3A_396, %dma_start3A_397] : memref<5x128x128xf32, #tpu.memory_space<vmem>> -> memref<1x128x128xf32, #tpu.memory_space<vmem>>
      %dma_start3A_399 = tpu.memref_squeeze %dma_start3A_398 : memref<1x128x128xf32, #tpu.memory_space<vmem>> -> memref<128x128xf32, #tpu.memory_space<vmem>>
      tpu.enqueue_dma source(%dma_start3A_399 : memref<128x128xf32, #tpu.memory_space<vmem>>) target(%dma_start3A_395 : memref<128x128xf32, #tpu.memory_space<hbm>>) target_semaphore(%arg16 : memref<!tpu.dma_semaphore, #tpu.memory_space<semaphore_mem>>)
      %dma_wait3A_400 = arith.constant 0 : i32
      %dma_wait3A_401 = arith.constant 4 : i32
      %dma_wait3A_402 = arith.constant 0 : i32
      %dma_wait3A_403 = arith.constant 0 : i32
      %dma_wait3A_404 = tpu.memref_slice %arg6[%dma_wait3A_401, %dma_wait3A_402, %dma_wait3A_403] : memref<5x128x128xf32, #tpu.memory_space<vmem>> -> memref<1x128x128xf32, #tpu.memory_space<vmem>>
      %dma_wait3A_405 = tpu.memref_squeeze %dma_wait3A_404 : memref<1x128x128xf32, #tpu.memory_space<vmem>> -> memref<128x128xf32, #tpu.memory_space<vmem>>
      %dma_wait3A_406 = arith.constant 0 : i32
      %dma_wait3A_407 = tpu.memref_slice %arg5[%dma_wait3A_400, %dma_wait3A_406] : memref<50x128xi32, #tpu.memory_space<vmem>> -> memref<1x128xi32, #tpu.memory_space<vmem>>
      %dma_wait3A_408 = tpu.memref_squeeze %dma_wait3A_407 : memref<1x128xi32, #tpu.memory_space<vmem>> -> memref<128xi32, #tpu.memory_space<vmem>>
      %dma_wait3A_409 = arith.constant 0 : i32
      %dma_wait3A_410 = arith.constant 0 : i32
      %dma_wait3A_411 = tpu.memref_slice %arg7[%dma_wait3A_409, %dma_wait3A_410] : memref<100x128xf32, #tpu.memory_space<vmem_shared>> -> memref<100x128xf32, #tpu.memory_space<vmem_shared>>
      tpu.wait_indirect_dma semaphore(%arg12 : memref<!tpu.dma_semaphore, #tpu.memory_space<semaphore_mem>>) src(%dma_wait3A_411 : memref<100x128xf32, #tpu.memory_space<vmem_shared>>) dst(%dma_wait3A_405 : memref<128x128xf32, #tpu.memory_space<vmem>>)
      %add3A_412 = arith.constant 4 : i32
      %add3A_413 = arith.addi %add3A_275, %add3A_412 : i32
      %mul3A_414 = arith.constant 128 : i32
      %mul3A_415 = arith.muli %add3A_413, %mul3A_414 : i32
      %add3A_416 = arith.addi %mul3A_2, %mul3A_415 : i32
      %multiple_of3A_417 = tpu.assume_multiple %add3A_416, 128 : i32
      %dma_start3A_418 = arith.constant 4 : i32
      %dma_start3A_419 = arith.constant 0 : i32
      %dma_start3A_420 = arith.constant 0 : i32
      %dma_start3A_421 = tpu.memref_slice %arg6[%dma_start3A_418, %dma_start3A_419, %dma_start3A_420] : memref<5x128x128xf32, #tpu.memory_space<vmem>> -> memref<1x128x128xf32, #tpu.memory_space<vmem>>
      %dma_start3A_422 = tpu.memref_squeeze %dma_start3A_421 : memref<1x128x128xf32, #tpu.memory_space<vmem>> -> memref<128x128xf32, #tpu.memory_space<vmem>>
      %dma_start3A_423 = arith.constant 0 : i32
      %dma_start3A_424 = tpu.memref_slice %arg4[%multiple_of3A_417, %dma_start3A_423] : memref<204800x128xf32, #tpu.memory_space<hbm>> -> memref<128x128xf32, #tpu.memory_space<hbm>>
      %dma_start3A_425 = arith.constant 0 : i32
      %dma_start3A_426 = tpu.memref_slice %arg4[%multiple_of3A_417, %dma_start3A_425] : memref<204800x128xf32, #tpu.memory_space<hbm>> -> memref<128x128xf32, #tpu.memory_space<hbm>>
      %dma_start3A_427 = arith.constant 0 : i32
      %dma_start3A_428 = arith.constant 0 : i32
      %dma_start3A_429 = tpu.memref_slice %arg6[%dma_start3A_418, %dma_start3A_427, %dma_start3A_428] : memref<5x128x128xf32, #tpu.memory_space<vmem>> -> memref<1x128x128xf32, #tpu.memory_space<vmem>>
      %dma_start3A_430 = tpu.memref_squeeze %dma_start3A_429 : memref<1x128x128xf32, #tpu.memory_space<vmem>> -> memref<128x128xf32, #tpu.memory_space<vmem>>
      tpu.enqueue_dma source(%dma_start3A_430 : memref<128x128xf32, #tpu.memory_space<vmem>>) target(%dma_start3A_426 : memref<128x128xf32, #tpu.memory_space<hbm>>) target_semaphore(%arg17 : memref<!tpu.dma_semaphore, #tpu.memory_space<semaphore_mem>>)
      %dma_wait3A_431 = arith.constant 0 : i32
      %dma_wait3A_432 = arith.constant 0 : i32
      %dma_wait3A_433 = arith.constant 0 : i32
      %dma_wait3A_434 = tpu.memref_slice %arg6[%dma_wait3A_431, %dma_wait3A_432, %dma_wait3A_433] : memref<5x128x128xf32, #tpu.memory_space<vmem>> -> memref<1x128x128xf32, #tpu.memory_space<vmem>>
      %dma_wait3A_435 = tpu.memref_squeeze %dma_wait3A_434 : memref<1x128x128xf32, #tpu.memory_space<vmem>> -> memref<128x128xf32, #tpu.memory_space<vmem>>
      %dma_wait3A_436 = arith.constant 0 : i32
      %dma_wait3A_437 = tpu.memref_slice %arg4[%mul3A_2, %dma_wait3A_436] : memref<204800x128xf32, #tpu.memory_space<hbm>> -> memref<128x128xf32, #tpu.memory_space<hbm>>
      %dma_wait3A_438 = arith.constant 0 : i32
      %dma_wait3A_439 = tpu.memref_slice %arg4[%mul3A_2, %dma_wait3A_438] : memref<204800x128xf32, #tpu.memory_space<hbm>> -> memref<128x128xf32, #tpu.memory_space<hbm>>
      %dma_wait3A_440 = arith.constant 0 : i32
      %dma_wait3A_441 = arith.constant 0 : i32
      %dma_wait3A_442 = tpu.memref_slice %arg6[%dma_wait3A_431, %dma_wait3A_440, %dma_wait3A_441] : memref<5x128x128xf32, #tpu.memory_space<vmem>> -> memref<1x128x128xf32, #tpu.memory_space<vmem>>
      %dma_wait3A_443 = tpu.memref_squeeze %dma_wait3A_442 : memref<1x128x128xf32, #tpu.memory_space<vmem>> -> memref<128x128xf32, #tpu.memory_space<vmem>>
      tpu.wait_dma2 semaphore(%arg13 : memref<!tpu.dma_semaphore, #tpu.memory_space<semaphore_mem>>) src(%dma_wait3A_443 : memref<128x128xf32, #tpu.memory_space<vmem>>) dst(%dma_wait3A_439 : memref<128x128xf32, #tpu.memory_space<hbm>>)
      %add3A_444 = arith.constant 0 : i32
      %add3A_445 = arith.addi %add3A_275, %add3A_444 : i32
      %add3A_446 = arith.constant 5 : i32
      %add3A_447 = arith.addi %add3A_445, %add3A_446 : i32
      %dma_start3A_448 = arith.constant 0 : i32
      %dma_start3A_449 = arith.constant 0 : i32
      %dma_start3A_450 = arith.constant 0 : i32
      %dma_start3A_451 = tpu.memref_slice %arg6[%dma_start3A_448, %dma_start3A_449, %dma_start3A_450] : memref<5x128x128xf32, #tpu.memory_space<vmem>> -> memref<1x128x128xf32, #tpu.memory_space<vmem>>
      %dma_start3A_452 = tpu.memref_squeeze %dma_start3A_451 : memref<1x128x128xf32, #tpu.memory_space<vmem>> -> memref<128x128xf32, #tpu.memory_space<vmem>>
      %dma_start3A_453 = arith.constant 0 : i32
      %dma_start3A_454 = tpu.memref_slice %arg5[%add3A_447, %dma_start3A_453] : memref<50x128xi32, #tpu.memory_space<vmem>> -> memref<1x128xi32, #tpu.memory_space<vmem>>
      %dma_start3A_455 = tpu.memref_squeeze %dma_start3A_454 : memref<1x128xi32, #tpu.memory_space<vmem>> -> memref<128xi32, #tpu.memory_space<vmem>>
      %dma_start3A_456 = arith.constant 0 : i32
      %dma_start3A_457 = arith.constant 0 : i32
      %dma_start3A_458 = tpu.memref_slice %arg7[%dma_start3A_456, %dma_start3A_457] : memref<100x128xf32, #tpu.memory_space<vmem_shared>> -> memref<100x128xf32, #tpu.memory_space<vmem_shared>>
      tpu.enqueue_indirect_dma source(%dma_start3A_458 : memref<100x128xf32, #tpu.memory_space<vmem_shared>>) target(%dma_start3A_452 : memref<128x128xf32, #tpu.memory_space<vmem>>) offsets(%dma_start3A_455 : memref<128xi32, #tpu.memory_space<vmem>>) semaphore(%arg8 : memref<!tpu.dma_semaphore, #tpu.memory_space<semaphore_mem>>)
      %dma_wait3A_459 = arith.constant 1 : i32
      %dma_wait3A_460 = arith.constant 0 : i32
      %dma_wait3A_461 = arith.constant 0 : i32
      %dma_wait3A_462 = tpu.memref_slice %arg6[%dma_wait3A_459, %dma_wait3A_460, %dma_wait3A_461] : memref<5x128x128xf32, #tpu.memory_space<vmem>> -> memref<1x128x128xf32, #tpu.memory_space<vmem>>
      %dma_wait3A_463 = tpu.memref_squeeze %dma_wait3A_462 : memref<1x128x128xf32, #tpu.memory_space<vmem>> -> memref<128x128xf32, #tpu.memory_space<vmem>>
      %dma_wait3A_464 = arith.constant 0 : i32
      %dma_wait3A_465 = tpu.memref_slice %arg4[%mul3A_2, %dma_wait3A_464] : memref<204800x128xf32, #tpu.memory_space<hbm>> -> memref<128x128xf32, #tpu.memory_space<hbm>>
      %dma_wait3A_466 = arith.constant 0 : i32
      %dma_wait3A_467 = tpu.memref_slice %arg4[%mul3A_2, %dma_wait3A_466] : memref<204800x128xf32, #tpu.memory_space<hbm>> -> memref<128x128xf32, #tpu.memory_space<hbm>>
      %dma_wait3A_468 = arith.constant 0 : i32
      %dma_wait3A_469 = arith.constant 0 : i32
      %dma_wait3A_470 = tpu.memref_slice %arg6[%dma_wait3A_459, %dma_wait3A_468, %dma_wait3A_469] : memref<5x128x128xf32, #tpu.memory_space<vmem>> -> memref<1x128x128xf32, #tpu.memory_space<vmem>>
      %dma_wait3A_471 = tpu.memref_squeeze %dma_wait3A_470 : memref<1x128x128xf32, #tpu.memory_space<vmem>> -> memref<128x128xf32, #tpu.memory_space<vmem>>
      tpu.wait_dma2 semaphore(%arg14 : memref<!tpu.dma_semaphore, #tpu.memory_space<semaphore_mem>>) src(%dma_wait3A_471 : memref<128x128xf32, #tpu.memory_space<vmem>>) dst(%dma_wait3A_467 : memref<128x128xf32, #tpu.memory_space<hbm>>)
      %add3A_472 = arith.constant 1 : i32
      %add3A_473 = arith.addi %add3A_275, %add3A_472 : i32
      %add3A_474 = arith.constant 5 : i32
      %add3A_475 = arith.addi %add3A_473, %add3A_474 : i32
      %dma_start3A_476 = arith.constant 1 : i32
      %dma_start3A_477 = arith.constant 0 : i32
      %dma_start3A_478 = arith.constant 0 : i32
      %dma_start3A_479 = tpu.memref_slice %arg6[%dma_start3A_476, %dma_start3A_477, %dma_start3A_478] : memref<5x128x128xf32, #tpu.memory_space<vmem>> -> memref<1x128x128xf32, #tpu.memory_space<vmem>>
      %dma_start3A_480 = tpu.memref_squeeze %dma_start3A_479 : memref<1x128x128xf32, #tpu.memory_space<vmem>> -> memref<128x128xf32, #tpu.memory_space<vmem>>
      %dma_start3A_481 = arith.constant 0 : i32
      %dma_start3A_482 = tpu.memref_slice %arg5[%add3A_475, %dma_start3A_481] : memref<50x128xi32, #tpu.memory_space<vmem>> -> memref<1x128xi32, #tpu.memory_space<vmem>>
      %dma_start3A_483 = tpu.memref_squeeze %dma_start3A_482 : memref<1x128xi32, #tpu.memory_space<vmem>> -> memref<128xi32, #tpu.memory_space<vmem>>
      %dma_start3A_484 = arith.constant 0 : i32
      %dma_start3A_485 = arith.constant 0 : i32
      %dma_start3A_486 = tpu.memref_slice %arg7[%dma_start3A_484, %dma_start3A_485] : memref<100x128xf32, #tpu.memory_space<vmem_shared>> -> memref<100x128xf32, #tpu.memory_space<vmem_shared>>
      tpu.enqueue_indirect_dma source(%dma_start3A_486 : memref<100x128xf32, #tpu.memory_space<vmem_shared>>) target(%dma_start3A_480 : memref<128x128xf32, #tpu.memory_space<vmem>>) offsets(%dma_start3A_483 : memref<128xi32, #tpu.memory_space<vmem>>) semaphore(%arg9 : memref<!tpu.dma_semaphore, #tpu.memory_space<semaphore_mem>>)
      %dma_wait3A_487 = arith.constant 2 : i32
      %dma_wait3A_488 = arith.constant 0 : i32
      %dma_wait3A_489 = arith.constant 0 : i32
      %dma_wait3A_490 = tpu.memref_slice %arg6[%dma_wait3A_487, %dma_wait3A_488, %dma_wait3A_489] : memref<5x128x128xf32, #tpu.memory_space<vmem>> -> memref<1x128x128xf32, #tpu.memory_space<vmem>>
      %dma_wait3A_491 = tpu.memref_squeeze %dma_wait3A_490 : memref<1x128x128xf32, #tpu.memory_space<vmem>> -> memref<128x128xf32, #tpu.memory_space<vmem>>
      %dma_wait3A_492 = arith.constant 0 : i32
      %dma_wait3A_493 = tpu.memref_slice %arg4[%mul3A_2, %dma_wait3A_492] : memref<204800x128xf32, #tpu.memory_space<hbm>> -> memref<128x128xf32, #tpu.memory_space<hbm>>
      %dma_wait3A_494 = arith.constant 0 : i32
      %dma_wait3A_495 = tpu.memref_slice %arg4[%mul3A_2, %dma_wait3A_494] : memref<204800x128xf32, #tpu.memory_space<hbm>> -> memref<128x128xf32, #tpu.memory_space<hbm>>
      %dma_wait3A_496 = arith.constant 0 : i32
      %dma_wait3A_497 = arith.constant 0 : i32
      %dma_wait3A_498 = tpu.memref_slice %arg6[%dma_wait3A_487, %dma_wait3A_496, %dma_wait3A_497] : memref<5x128x128xf32, #tpu.memory_space<vmem>> -> memref<1x128x128xf32, #tpu.memory_space<vmem>>
      %dma_wait3A_499 = tpu.memref_squeeze %dma_wait3A_498 : memref<1x128x128xf32, #tpu.memory_space<vmem>> -> memref<128x128xf32, #tpu.memory_space<vmem>>
      tpu.wait_dma2 semaphore(%arg15 : memref<!tpu.dma_semaphore, #tpu.memory_space<semaphore_mem>>) src(%dma_wait3A_499 : memref<128x128xf32, #tpu.memory_space<vmem>>) dst(%dma_wait3A_495 : memref<128x128xf32, #tpu.memory_space<hbm>>)
      %add3A_500 = arith.constant 2 : i32
      %add3A_501 = arith.addi %add3A_275, %add3A_500 : i32
      %add3A_502 = arith.constant 5 : i32
      %add3A_503 = arith.addi %add3A_501, %add3A_502 : i32
      %dma_start3A_504 = arith.constant 2 : i32
      %dma_start3A_505 = arith.constant 0 : i32
      %dma_start3A_506 = arith.constant 0 : i32
      %dma_start3A_507 = tpu.memref_slice %arg6[%dma_start3A_504, %dma_start3A_505, %dma_start3A_506] : memref<5x128x128xf32, #tpu.memory_space<vmem>> -> memref<1x128x128xf32, #tpu.memory_space<vmem>>
      %dma_start3A_508 = tpu.memref_squeeze %dma_start3A_507 : memref<1x128x128xf32, #tpu.memory_space<vmem>> -> memref<128x128xf32, #tpu.memory_space<vmem>>
      %dma_start3A_509 = arith.constant 0 : i32
      %dma_start3A_510 = tpu.memref_slice %arg5[%add3A_503, %dma_start3A_509] : memref<50x128xi32, #tpu.memory_space<vmem>> -> memref<1x128xi32, #tpu.memory_space<vmem>>
      %dma_start3A_511 = tpu.memref_squeeze %dma_start3A_510 : memref<1x128xi32, #tpu.memory_space<vmem>> -> memref<128xi32, #tpu.memory_space<vmem>>
      %dma_start3A_512 = arith.constant 0 : i32
      %dma_start3A_513 = arith.constant 0 : i32
      %dma_start3A_514 = tpu.memref_slice %arg7[%dma_start3A_512, %dma_start3A_513] : memref<100x128xf32, #tpu.memory_space<vmem_shared>> -> memref<100x128xf32, #tpu.memory_space<vmem_shared>>
      tpu.enqueue_indirect_dma source(%dma_start3A_514 : memref<100x128xf32, #tpu.memory_space<vmem_shared>>) target(%dma_start3A_508 : memref<128x128xf32, #tpu.memory_space<vmem>>) offsets(%dma_start3A_511 : memref<128xi32, #tpu.memory_space<vmem>>) semaphore(%arg10 : memref<!tpu.dma_semaphore, #tpu.memory_space<semaphore_mem>>)
      %dma_wait3A_515 = arith.constant 3 : i32
      %dma_wait3A_516 = arith.constant 0 : i32
      %dma_wait3A_517 = arith.constant 0 : i32
      %dma_wait3A_518 = tpu.memref_slice %arg6[%dma_wait3A_515, %dma_wait3A_516, %dma_wait3A_517] : memref<5x128x128xf32, #tpu.memory_space<vmem>> -> memref<1x128x128xf32, #tpu.memory_space<vmem>>
      %dma_wait3A_519 = tpu.memref_squeeze %dma_wait3A_518 : memref<1x128x128xf32, #tpu.memory_space<vmem>> -> memref<128x128xf32, #tpu.memory_space<vmem>>
      %dma_wait3A_520 = arith.constant 0 : i32
      %dma_wait3A_521 = tpu.memref_slice %arg4[%mul3A_2, %dma_wait3A_520] : memref<204800x128xf32, #tpu.memory_space<hbm>> -> memref<128x128xf32, #tpu.memory_space<hbm>>
      %dma_wait3A_522 = arith.constant 0 : i32
      %dma_wait3A_523 = tpu.memref_slice %arg4[%mul3A_2, %dma_wait3A_522] : memref<204800x128xf32, #tpu.memory_space<hbm>> -> memref<128x128xf32, #tpu.memory_space<hbm>>
      %dma_wait3A_524 = arith.constant 0 : i32
      %dma_wait3A_525 = arith.constant 0 : i32
      %dma_wait3A_526 = tpu.memref_slice %arg6[%dma_wait3A_515, %dma_wait3A_524, %dma_wait3A_525] : memref<5x128x128xf32, #tpu.memory_space<vmem>> -> memref<1x128x128xf32, #tpu.memory_space<vmem>>
      %dma_wait3A_527 = tpu.memref_squeeze %dma_wait3A_526 : memref<1x128x128xf32, #tpu.memory_space<vmem>> -> memref<128x128xf32, #tpu.memory_space<vmem>>
      tpu.wait_dma2 semaphore(%arg16 : memref<!tpu.dma_semaphore, #tpu.memory_space<semaphore_mem>>) src(%dma_wait3A_527 : memref<128x128xf32, #tpu.memory_space<vmem>>) dst(%dma_wait3A_523 : memref<128x128xf32, #tpu.memory_space<hbm>>)
      %add3A_528 = arith.constant 3 : i32
      %add3A_529 = arith.addi %add3A_275, %add3A_528 : i32
      %add3A_530 = arith.constant 5 : i32
      %add3A_531 = arith.addi %add3A_529, %add3A_530 : i32
      %dma_start3A_532 = arith.constant 3 : i32
      %dma_start3A_533 = arith.constant 0 : i32
      %dma_start3A_534 = arith.constant 0 : i32
      %dma_start3A_535 = tpu.memref_slice %arg6[%dma_start3A_532, %dma_start3A_533, %dma_start3A_534] : memref<5x128x128xf32, #tpu.memory_space<vmem>> -> memref<1x128x128xf32, #tpu.memory_space<vmem>>
      %dma_start3A_536 = tpu.memref_squeeze %dma_start3A_535 : memref<1x128x128xf32, #tpu.memory_space<vmem>> -> memref<128x128xf32, #tpu.memory_space<vmem>>
      %dma_start3A_537 = arith.constant 0 : i32
      %dma_start3A_538 = tpu.memref_slice %arg5[%add3A_531, %dma_start3A_537] : memref<50x128xi32, #tpu.memory_space<vmem>> -> memref<1x128xi32, #tpu.memory_space<vmem>>
      %dma_start3A_539 = tpu.memref_squeeze %dma_start3A_538 : memref<1x128xi32, #tpu.memory_space<vmem>> -> memref<128xi32, #tpu.memory_space<vmem>>
      %dma_start3A_540 = arith.constant 0 : i32
      %dma_start3A_541 = arith.constant 0 : i32
      %dma_start3A_542 = tpu.memref_slice %arg7[%dma_start3A_540, %dma_start3A_541] : memref<100x128xf32, #tpu.memory_space<vmem_shared>> -> memref<100x128xf32, #tpu.memory_space<vmem_shared>>
      tpu.enqueue_indirect_dma source(%dma_start3A_542 : memref<100x128xf32, #tpu.memory_space<vmem_shared>>) target(%dma_start3A_536 : memref<128x128xf32, #tpu.memory_space<vmem>>) offsets(%dma_start3A_539 : memref<128xi32, #tpu.memory_space<vmem>>) semaphore(%arg11 : memref<!tpu.dma_semaphore, #tpu.memory_space<semaphore_mem>>)
      %dma_wait3A_543 = arith.constant 4 : i32
      %dma_wait3A_544 = arith.constant 0 : i32
      %dma_wait3A_545 = arith.constant 0 : i32
      %dma_wait3A_546 = tpu.memref_slice %arg6[%dma_wait3A_543, %dma_wait3A_544, %dma_wait3A_545] : memref<5x128x128xf32, #tpu.memory_space<vmem>> -> memref<1x128x128xf32, #tpu.memory_space<vmem>>
      %dma_wait3A_547 = tpu.memref_squeeze %dma_wait3A_546 : memref<1x128x128xf32, #tpu.memory_space<vmem>> -> memref<128x128xf32, #tpu.memory_space<vmem>>
      %dma_wait3A_548 = arith.constant 0 : i32
      %dma_wait3A_549 = tpu.memref_slice %arg4[%mul3A_2, %dma_wait3A_548] : memref<204800x128xf32, #tpu.memory_space<hbm>> -> memref<128x128xf32, #tpu.memory_space<hbm>>
      %dma_wait3A_550 = arith.constant 0 : i32
      %dma_wait3A_551 = tpu.memref_slice %arg4[%mul3A_2, %dma_wait3A_550] : memref<204800x128xf32, #tpu.memory_space<hbm>> -> memref<128x128xf32, #tpu.memory_space<hbm>>
      %dma_wait3A_552 = arith.constant 0 : i32
      %dma_wait3A_553 = arith.constant 0 : i32
      %dma_wait3A_554 = tpu.memref_slice %arg6[%dma_wait3A_543, %dma_wait3A_552, %dma_wait3A_553] : memref<5x128x128xf32, #tpu.memory_space<vmem>> -> memref<1x128x128xf32, #tpu.memory_space<vmem>>
      %dma_wait3A_555 = tpu.memref_squeeze %dma_wait3A_554 : memref<1x128x128xf32, #tpu.memory_space<vmem>> -> memref<128x128xf32, #tpu.memory_space<vmem>>
      tpu.wait_dma2 semaphore(%arg17 : memref<!tpu.dma_semaphore, #tpu.memory_space<semaphore_mem>>) src(%dma_wait3A_555 : memref<128x128xf32, #tpu.memory_space<vmem>>) dst(%dma_wait3A_551 : memref<128x128xf32, #tpu.memory_space<hbm>>)
      %add3A_556 = arith.constant 4 : i32
      %add3A_557 = arith.addi %add3A_275, %add3A_556 : i32
      %add3A_558 = arith.constant 5 : i32
      %add3A_559 = arith.addi %add3A_557, %add3A_558 : i32
      %dma_start3A_560 = arith.constant 4 : i32
      %dma_start3A_561 = arith.constant 0 : i32
      %dma_start3A_562 = arith.constant 0 : i32
      %dma_start3A_563 = tpu.memref_slice %arg6[%dma_start3A_560, %dma_start3A_561, %dma_start3A_562] : memref<5x128x128xf32, #tpu.memory_space<vmem>> -> memref<1x128x128xf32, #tpu.memory_space<vmem>>
      %dma_start3A_564 = tpu.memref_squeeze %dma_start3A_563 : memref<1x128x128xf32, #tpu.memory_space<vmem>> -> memref<128x128xf32, #tpu.memory_space<vmem>>
      %dma_start3A_565 = arith.constant 0 : i32
      %dma_start3A_566 = tpu.memref_slice %arg5[%add3A_559, %dma_start3A_565] : memref<50x128xi32, #tpu.memory_space<vmem>> -> memref<1x128xi32, #tpu.memory_space<vmem>>
      %dma_start3A_567 = tpu.memref_squeeze %dma_start3A_566 : memref<1x128xi32, #tpu.memory_space<vmem>> -> memref<128xi32, #tpu.memory_space<vmem>>
      %dma_start3A_568 = arith.constant 0 : i32
      %dma_start3A_569 = arith.constant 0 : i32
      %dma_start3A_570 = tpu.memref_slice %arg7[%dma_start3A_568, %dma_start3A_569] : memref<100x128xf32, #tpu.memory_space<vmem_shared>> -> memref<100x128xf32, #tpu.memory_space<vmem_shared>>
      tpu.enqueue_indirect_dma source(%dma_start3A_570 : memref<100x128xf32, #tpu.memory_space<vmem_shared>>) target(%dma_start3A_564 : memref<128x128xf32, #tpu.memory_space<vmem>>) offsets(%dma_start3A_567 : memref<128xi32, #tpu.memory_space<vmem>>) semaphore(%arg12 : memref<!tpu.dma_semaphore, #tpu.memory_space<semaphore_mem>>)
    }
    %scan3A_67 = arith.constant 9 : i32
    %dma_wait3A = arith.constant 0 : i32
    %dma_wait3A_68 = arith.constant 0 : i32
    %dma_wait3A_69 = arith.constant 0 : i32
    %dma_wait3A_70 = arith.constant 0 : i32
    %dma_wait3A_71 = tpu.memref_slice %arg6[%dma_wait3A_68, %dma_wait3A_69, %dma_wait3A_70] : memref<5x128x128xf32, #tpu.memory_space<vmem>> -> memref<1x128x128xf32, #tpu.memory_space<vmem>>
    %dma_wait3A_72 = tpu.memref_squeeze %dma_wait3A_71 : memref<1x128x128xf32, #tpu.memory_space<vmem>> -> memref<128x128xf32, #tpu.memory_space<vmem>>
    %dma_wait3A_73 = arith.constant 0 : i32
    %dma_wait3A_74 = tpu.memref_slice %arg5[%dma_wait3A, %dma_wait3A_73] : memref<50x128xi32, #tpu.memory_space<vmem>> -> memref<1x128xi32, #tpu.memory_space<vmem>>
    %dma_wait3A_75 = tpu.memref_squeeze %dma_wait3A_74 : memref<1x128xi32, #tpu.memory_space<vmem>> -> memref<128xi32, #tpu.memory_space<vmem>>
    %dma_wait3A_76 = arith.constant 0 : i32
    %dma_wait3A_77 = arith.constant 0 : i32
    %dma_wait3A_78 = tpu.memref_slice %arg7[%dma_wait3A_76, %dma_wait3A_77] : memref<100x128xf32, #tpu.memory_space<vmem_shared>> -> memref<100x128xf32, #tpu.memory_space<vmem_shared>>
    tpu.wait_indirect_dma semaphore(%arg8 : memref<!tpu.dma_semaphore, #tpu.memory_space<semaphore_mem>>) src(%dma_wait3A_78 : memref<100x128xf32, #tpu.memory_space<vmem_shared>>) dst(%dma_wait3A_72 : memref<128x128xf32, #tpu.memory_space<vmem>>)
    %add3A_79 = arith.constant 5760 : i32
    %add3A_80 = arith.addi %mul3A_2, %add3A_79 : i32
    %multiple_of3A = tpu.assume_multiple %add3A_80, 128 : i32
    %dma_start3A_81 = arith.constant 0 : i32
    %dma_start3A_82 = arith.constant 0 : i32
    %dma_start3A_83 = arith.constant 0 : i32
    %dma_start3A_84 = tpu.memref_slice %arg6[%dma_start3A_81, %dma_start3A_82, %dma_start3A_83] : memref<5x128x128xf32, #tpu.memory_space<vmem>> -> memref<1x128x128xf32, #tpu.memory_space<vmem>>
    %dma_start3A_85 = tpu.memref_squeeze %dma_start3A_84 : memref<1x128x128xf32, #tpu.memory_space<vmem>> -> memref<128x128xf32, #tpu.memory_space<vmem>>
    %dma_start3A_86 = arith.constant 0 : i32
    %dma_start3A_87 = tpu.memref_slice %arg4[%multiple_of3A, %dma_start3A_86] : memref<204800x128xf32, #tpu.memory_space<hbm>> -> memref<128x128xf32, #tpu.memory_space<hbm>>
    %dma_start3A_88 = arith.constant 0 : i32
    %dma_start3A_89 = tpu.memref_slice %arg4[%multiple_of3A, %dma_start3A_88] : memref<204800x128xf32, #tpu.memory_space<hbm>> -> memref<128x128xf32, #tpu.memory_space<hbm>>
    %dma_start3A_90 = arith.constant 0 : i32
    %dma_start3A_91 = arith.constant 0 : i32
    %dma_start3A_92 = tpu.memref_slice %arg6[%dma_start3A_81, %dma_start3A_90, %dma_start3A_91] : memref<5x128x128xf32, #tpu.memory_space<vmem>> -> memref<1x128x128xf32, #tpu.memory_space<vmem>>
    %dma_start3A_93 = tpu.memref_squeeze %dma_start3A_92 : memref<1x128x128xf32, #tpu.memory_space<vmem>> -> memref<128x128xf32, #tpu.memory_space<vmem>>
    tpu.enqueue_dma source(%dma_start3A_93 : memref<128x128xf32, #tpu.memory_space<vmem>>) target(%dma_start3A_89 : memref<128x128xf32, #tpu.memory_space<hbm>>) target_semaphore(%arg13 : memref<!tpu.dma_semaphore, #tpu.memory_space<semaphore_mem>>)
    %dma_wait3A_94 = arith.constant 0 : i32
    %dma_wait3A_95 = arith.constant 1 : i32
    %dma_wait3A_96 = arith.constant 0 : i32
    %dma_wait3A_97 = arith.constant 0 : i32
    %dma_wait3A_98 = tpu.memref_slice %arg6[%dma_wait3A_95, %dma_wait3A_96, %dma_wait3A_97] : memref<5x128x128xf32, #tpu.memory_space<vmem>> -> memref<1x128x128xf32, #tpu.memory_space<vmem>>
    %dma_wait3A_99 = tpu.memref_squeeze %dma_wait3A_98 : memref<1x128x128xf32, #tpu.memory_space<vmem>> -> memref<128x128xf32, #tpu.memory_space<vmem>>
    %dma_wait3A_100 = arith.constant 0 : i32
    %dma_wait3A_101 = tpu.memref_slice %arg5[%dma_wait3A_94, %dma_wait3A_100] : memref<50x128xi32, #tpu.memory_space<vmem>> -> memref<1x128xi32, #tpu.memory_space<vmem>>
    %dma_wait3A_102 = tpu.memref_squeeze %dma_wait3A_101 : memref<1x128xi32, #tpu.memory_space<vmem>> -> memref<128xi32, #tpu.memory_space<vmem>>
    %dma_wait3A_103 = arith.constant 0 : i32
    %dma_wait3A_104 = arith.constant 0 : i32
    %dma_wait3A_105 = tpu.memref_slice %arg7[%dma_wait3A_103, %dma_wait3A_104] : memref<100x128xf32, #tpu.memory_space<vmem_shared>> -> memref<100x128xf32, #tpu.memory_space<vmem_shared>>
    tpu.wait_indirect_dma semaphore(%arg9 : memref<!tpu.dma_semaphore, #tpu.memory_space<semaphore_mem>>) src(%dma_wait3A_105 : memref<100x128xf32, #tpu.memory_space<vmem_shared>>) dst(%dma_wait3A_99 : memref<128x128xf32, #tpu.memory_space<vmem>>)
    %add3A_106 = arith.constant 5888 : i32
    %add3A_107 = arith.addi %mul3A_2, %add3A_106 : i32
    %multiple_of3A_108 = tpu.assume_multiple %add3A_107, 128 : i32
    %dma_start3A_109 = arith.constant 1 : i32
    %dma_start3A_110 = arith.constant 0 : i32
    %dma_start3A_111 = arith.constant 0 : i32
    %dma_start3A_112 = tpu.memref_slice %arg6[%dma_start3A_109, %dma_start3A_110, %dma_start3A_111] : memref<5x128x128xf32, #tpu.memory_space<vmem>> -> memref<1x128x128xf32, #tpu.memory_space<vmem>>
    %dma_start3A_113 = tpu.memref_squeeze %dma_start3A_112 : memref<1x128x128xf32, #tpu.memory_space<vmem>> -> memref<128x128xf32, #tpu.memory_space<vmem>>
    %dma_start3A_114 = arith.constant 0 : i32
    %dma_start3A_115 = tpu.memref_slice %arg4[%multiple_of3A_108, %dma_start3A_114] : memref<204800x128xf32, #tpu.memory_space<hbm>> -> memref<128x128xf32, #tpu.memory_space<hbm>>
    %dma_start3A_116 = arith.constant 0 : i32
    %dma_start3A_117 = tpu.memref_slice %arg4[%multiple_of3A_108, %dma_start3A_116] : memref<204800x128xf32, #tpu.memory_space<hbm>> -> memref<128x128xf32, #tpu.memory_space<hbm>>
    %dma_start3A_118 = arith.constant 0 : i32
    %dma_start3A_119 = arith.constant 0 : i32
    %dma_start3A_120 = tpu.memref_slice %arg6[%dma_start3A_109, %dma_start3A_118, %dma_start3A_119] : memref<5x128x128xf32, #tpu.memory_space<vmem>> -> memref<1x128x128xf32, #tpu.memory_space<vmem>>
    %dma_start3A_121 = tpu.memref_squeeze %dma_start3A_120 : memref<1x128x128xf32, #tpu.memory_space<vmem>> -> memref<128x128xf32, #tpu.memory_space<vmem>>
    tpu.enqueue_dma source(%dma_start3A_121 : memref<128x128xf32, #tpu.memory_space<vmem>>) target(%dma_start3A_117 : memref<128x128xf32, #tpu.memory_space<hbm>>) target_semaphore(%arg14 : memref<!tpu.dma_semaphore, #tpu.memory_space<semaphore_mem>>)
    %dma_wait3A_122 = arith.constant 0 : i32
    %dma_wait3A_123 = arith.constant 2 : i32
    %dma_wait3A_124 = arith.constant 0 : i32
    %dma_wait3A_125 = arith.constant 0 : i32
    %dma_wait3A_126 = tpu.memref_slice %arg6[%dma_wait3A_123, %dma_wait3A_124, %dma_wait3A_125] : memref<5x128x128xf32, #tpu.memory_space<vmem>> -> memref<1x128x128xf32, #tpu.memory_space<vmem>>
    %dma_wait3A_127 = tpu.memref_squeeze %dma_wait3A_126 : memref<1x128x128xf32, #tpu.memory_space<vmem>> -> memref<128x128xf32, #tpu.memory_space<vmem>>
    %dma_wait3A_128 = arith.constant 0 : i32
    %dma_wait3A_129 = tpu.memref_slice %arg5[%dma_wait3A_122, %dma_wait3A_128] : memref<50x128xi32, #tpu.memory_space<vmem>> -> memref<1x128xi32, #tpu.memory_space<vmem>>
    %dma_wait3A_130 = tpu.memref_squeeze %dma_wait3A_129 : memref<1x128xi32, #tpu.memory_space<vmem>> -> memref<128xi32, #tpu.memory_space<vmem>>
    %dma_wait3A_131 = arith.constant 0 : i32
    %dma_wait3A_132 = arith.constant 0 : i32
    %dma_wait3A_133 = tpu.memref_slice %arg7[%dma_wait3A_131, %dma_wait3A_132] : memref<100x128xf32, #tpu.memory_space<vmem_shared>> -> memref<100x128xf32, #tpu.memory_space<vmem_shared>>
    tpu.wait_indirect_dma semaphore(%arg10 : memref<!tpu.dma_semaphore, #tpu.memory_space<semaphore_mem>>) src(%dma_wait3A_133 : memref<100x128xf32, #tpu.memory_space<vmem_shared>>) dst(%dma_wait3A_127 : memref<128x128xf32, #tpu.memory_space<vmem>>)
    %add3A_134 = arith.constant 6016 : i32
    %add3A_135 = arith.addi %mul3A_2, %add3A_134 : i32
    %multiple_of3A_136 = tpu.assume_multiple %add3A_135, 128 : i32
    %dma_start3A_137 = arith.constant 2 : i32
    %dma_start3A_138 = arith.constant 0 : i32
    %dma_start3A_139 = arith.constant 0 : i32
    %dma_start3A_140 = tpu.memref_slice %arg6[%dma_start3A_137, %dma_start3A_138, %dma_start3A_139] : memref<5x128x128xf32, #tpu.memory_space<vmem>> -> memref<1x128x128xf32, #tpu.memory_space<vmem>>
    %dma_start3A_141 = tpu.memref_squeeze %dma_start3A_140 : memref<1x128x128xf32, #tpu.memory_space<vmem>> -> memref<128x128xf32, #tpu.memory_space<vmem>>
    %dma_start3A_142 = arith.constant 0 : i32
    %dma_start3A_143 = tpu.memref_slice %arg4[%multiple_of3A_136, %dma_start3A_142] : memref<204800x128xf32, #tpu.memory_space<hbm>> -> memref<128x128xf32, #tpu.memory_space<hbm>>
    %dma_start3A_144 = arith.constant 0 : i32
    %dma_start3A_145 = tpu.memref_slice %arg4[%multiple_of3A_136, %dma_start3A_144] : memref<204800x128xf32, #tpu.memory_space<hbm>> -> memref<128x128xf32, #tpu.memory_space<hbm>>
    %dma_start3A_146 = arith.constant 0 : i32
    %dma_start3A_147 = arith.constant 0 : i32
    %dma_start3A_148 = tpu.memref_slice %arg6[%dma_start3A_137, %dma_start3A_146, %dma_start3A_147] : memref<5x128x128xf32, #tpu.memory_space<vmem>> -> memref<1x128x128xf32, #tpu.memory_space<vmem>>
    %dma_start3A_149 = tpu.memref_squeeze %dma_start3A_148 : memref<1x128x128xf32, #tpu.memory_space<vmem>> -> memref<128x128xf32, #tpu.memory_space<vmem>>
    tpu.enqueue_dma source(%dma_start3A_149 : memref<128x128xf32, #tpu.memory_space<vmem>>) target(%dma_start3A_145 : memref<128x128xf32, #tpu.memory_space<hbm>>) target_semaphore(%arg15 : memref<!tpu.dma_semaphore, #tpu.memory_space<semaphore_mem>>)
    %dma_wait3A_150 = arith.constant 0 : i32
    %dma_wait3A_151 = arith.constant 3 : i32
    %dma_wait3A_152 = arith.constant 0 : i32
    %dma_wait3A_153 = arith.constant 0 : i32
    %dma_wait3A_154 = tpu.memref_slice %arg6[%dma_wait3A_151, %dma_wait3A_152, %dma_wait3A_153] : memref<5x128x128xf32, #tpu.memory_space<vmem>> -> memref<1x128x128xf32, #tpu.memory_space<vmem>>
    %dma_wait3A_155 = tpu.memref_squeeze %dma_wait3A_154 : memref<1x128x128xf32, #tpu.memory_space<vmem>> -> memref<128x128xf32, #tpu.memory_space<vmem>>
    %dma_wait3A_156 = arith.constant 0 : i32
    %dma_wait3A_157 = tpu.memref_slice %arg5[%dma_wait3A_150, %dma_wait3A_156] : memref<50x128xi32, #tpu.memory_space<vmem>> -> memref<1x128xi32, #tpu.memory_space<vmem>>
    %dma_wait3A_158 = tpu.memref_squeeze %dma_wait3A_157 : memref<1x128xi32, #tpu.memory_space<vmem>> -> memref<128xi32, #tpu.memory_space<vmem>>
    %dma_wait3A_159 = arith.constant 0 : i32
    %dma_wait3A_160 = arith.constant 0 : i32
    %dma_wait3A_161 = tpu.memref_slice %arg7[%dma_wait3A_159, %dma_wait3A_160] : memref<100x128xf32, #tpu.memory_space<vmem_shared>> -> memref<100x128xf32, #tpu.memory_space<vmem_shared>>
    tpu.wait_indirect_dma semaphore(%arg11 : memref<!tpu.dma_semaphore, #tpu.memory_space<semaphore_mem>>) src(%dma_wait3A_161 : memref<100x128xf32, #tpu.memory_space<vmem_shared>>) dst(%dma_wait3A_155 : memref<128x128xf32, #tpu.memory_space<vmem>>)
    %add3A_162 = arith.constant 6144 : i32
    %add3A_163 = arith.addi %mul3A_2, %add3A_162 : i32
    %multiple_of3A_164 = tpu.assume_multiple %add3A_163, 128 : i32
    %dma_start3A_165 = arith.constant 3 : i32
    %dma_start3A_166 = arith.constant 0 : i32
    %dma_start3A_167 = arith.constant 0 : i32
    %dma_start3A_168 = tpu.memref_slice %arg6[%dma_start3A_165, %dma_start3A_166, %dma_start3A_167] : memref<5x128x128xf32, #tpu.memory_space<vmem>> -> memref<1x128x128xf32, #tpu.memory_space<vmem>>
    %dma_start3A_169 = tpu.memref_squeeze %dma_start3A_168 : memref<1x128x128xf32, #tpu.memory_space<vmem>> -> memref<128x128xf32, #tpu.memory_space<vmem>>
    %dma_start3A_170 = arith.constant 0 : i32
    %dma_start3A_171 = tpu.memref_slice %arg4[%multiple_of3A_164, %dma_start3A_170] : memref<204800x128xf32, #tpu.memory_space<hbm>> -> memref<128x128xf32, #tpu.memory_space<hbm>>
    %dma_start3A_172 = arith.constant 0 : i32
    %dma_start3A_173 = tpu.memref_slice %arg4[%multiple_of3A_164, %dma_start3A_172] : memref<204800x128xf32, #tpu.memory_space<hbm>> -> memref<128x128xf32, #tpu.memory_space<hbm>>
    %dma_start3A_174 = arith.constant 0 : i32
    %dma_start3A_175 = arith.constant 0 : i32
    %dma_start3A_176 = tpu.memref_slice %arg6[%dma_start3A_165, %dma_start3A_174, %dma_start3A_175] : memref<5x128x128xf32, #tpu.memory_space<vmem>> -> memref<1x128x128xf32, #tpu.memory_space<vmem>>
    %dma_start3A_177 = tpu.memref_squeeze %dma_start3A_176 : memref<1x128x128xf32, #tpu.memory_space<vmem>> -> memref<128x128xf32, #tpu.memory_space<vmem>>
    tpu.enqueue_dma source(%dma_start3A_177 : memref<128x128xf32, #tpu.memory_space<vmem>>) target(%dma_start3A_173 : memref<128x128xf32, #tpu.memory_space<hbm>>) target_semaphore(%arg16 : memref<!tpu.dma_semaphore, #tpu.memory_space<semaphore_mem>>)
    %dma_wait3A_178 = arith.constant 0 : i32
    %dma_wait3A_179 = arith.constant 4 : i32
    %dma_wait3A_180 = arith.constant 0 : i32
    %dma_wait3A_181 = arith.constant 0 : i32
    %dma_wait3A_182 = tpu.memref_slice %arg6[%dma_wait3A_179, %dma_wait3A_180, %dma_wait3A_181] : memref<5x128x128xf32, #tpu.memory_space<vmem>> -> memref<1x128x128xf32, #tpu.memory_space<vmem>>
    %dma_wait3A_183 = tpu.memref_squeeze %dma_wait3A_182 : memref<1x128x128xf32, #tpu.memory_space<vmem>> -> memref<128x128xf32, #tpu.memory_space<vmem>>
    %dma_wait3A_184 = arith.constant 0 : i32
    %dma_wait3A_185 = tpu.memref_slice %arg5[%dma_wait3A_178, %dma_wait3A_184] : memref<50x128xi32, #tpu.memory_space<vmem>> -> memref<1x128xi32, #tpu.memory_space<vmem>>
    %dma_wait3A_186 = tpu.memref_squeeze %dma_wait3A_185 : memref<1x128xi32, #tpu.memory_space<vmem>> -> memref<128xi32, #tpu.memory_space<vmem>>
    %dma_wait3A_187 = arith.constant 0 : i32
    %dma_wait3A_188 = arith.constant 0 : i32
    %dma_wait3A_189 = tpu.memref_slice %arg7[%dma_wait3A_187, %dma_wait3A_188] : memref<100x128xf32, #tpu.memory_space<vmem_shared>> -> memref<100x128xf32, #tpu.memory_space<vmem_shared>>
    tpu.wait_indirect_dma semaphore(%arg12 : memref<!tpu.dma_semaphore, #tpu.memory_space<semaphore_mem>>) src(%dma_wait3A_189 : memref<100x128xf32, #tpu.memory_space<vmem_shared>>) dst(%dma_wait3A_183 : memref<128x128xf32, #tpu.memory_space<vmem>>)
    %add3A_190 = arith.constant 6272 : i32
    %add3A_191 = arith.addi %mul3A_2, %add3A_190 : i32
    %multiple_of3A_192 = tpu.assume_multiple %add3A_191, 128 : i32
    %dma_start3A_193 = arith.constant 4 : i32
    %dma_start3A_194 = arith.constant 0 : i32
    %dma_start3A_195 = arith.constant 0 : i32
    %dma_start3A_196 = tpu.memref_slice %arg6[%dma_start3A_193, %dma_start3A_194, %dma_start3A_195] : memref<5x128x128xf32, #tpu.memory_space<vmem>> -> memref<1x128x128xf32, #tpu.memory_space<vmem>>
    %dma_start3A_197 = tpu.memref_squeeze %dma_start3A_196 : memref<1x128x128xf32, #tpu.memory_space<vmem>> -> memref<128x128xf32, #tpu.memory_space<vmem>>
    %dma_start3A_198 = arith.constant 0 : i32
    %dma_start3A_199 = tpu.memref_slice %arg4[%multiple_of3A_192, %dma_start3A_198] : memref<204800x128xf32, #tpu.memory_space<hbm>> -> memref<128x128xf32, #tpu.memory_space<hbm>>
    %dma_start3A_200 = arith.constant 0 : i32
    %dma_start3A_201 = tpu.memref_slice %arg4[%multiple_of3A_192, %dma_start3A_200] : memref<204800x128xf32, #tpu.memory_space<hbm>> -> memref<128x128xf32, #tpu.memory_space<hbm>>
    %dma_start3A_202 = arith.constant 0 : i32
    %dma_start3A_203 = arith.constant 0 : i32
    %dma_start3A_204 = tpu.memref_slice %arg6[%dma_start3A_193, %dma_start3A_202, %dma_start3A_203] : memref<5x128x128xf32, #tpu.memory_space<vmem>> -> memref<1x128x128xf32, #tpu.memory_space<vmem>>
    %dma_start3A_205 = tpu.memref_squeeze %dma_start3A_204 : memref<1x128x128xf32, #tpu.memory_space<vmem>> -> memref<128x128xf32, #tpu.memory_space<vmem>>
    tpu.enqueue_dma source(%dma_start3A_205 : memref<128x128xf32, #tpu.memory_space<vmem>>) target(%dma_start3A_201 : memref<128x128xf32, #tpu.memory_space<hbm>>) target_semaphore(%arg17 : memref<!tpu.dma_semaphore, #tpu.memory_space<semaphore_mem>>)
    %dma_wait3A_206 = arith.constant 0 : i32
    %dma_wait3A_207 = arith.constant 0 : i32
    %dma_wait3A_208 = arith.constant 0 : i32
    %dma_wait3A_209 = tpu.memref_slice %arg6[%dma_wait3A_206, %dma_wait3A_207, %dma_wait3A_208] : memref<5x128x128xf32, #tpu.memory_space<vmem>> -> memref<1x128x128xf32, #tpu.memory_space<vmem>>
    %dma_wait3A_210 = tpu.memref_squeeze %dma_wait3A_209 : memref<1x128x128xf32, #tpu.memory_space<vmem>> -> memref<128x128xf32, #tpu.memory_space<vmem>>
    %dma_wait3A_211 = arith.constant 0 : i32
    %dma_wait3A_212 = tpu.memref_slice %arg4[%mul3A_2, %dma_wait3A_211] : memref<204800x128xf32, #tpu.memory_space<hbm>> -> memref<128x128xf32, #tpu.memory_space<hbm>>
    %dma_wait3A_213 = arith.constant 0 : i32
    %dma_wait3A_214 = tpu.memref_slice %arg4[%mul3A_2, %dma_wait3A_213] : memref<204800x128xf32, #tpu.memory_space<hbm>> -> memref<128x128xf32, #tpu.memory_space<hbm>>
    %dma_wait3A_215 = arith.constant 0 : i32
    %dma_wait3A_216 = arith.constant 0 : i32
    %dma_wait3A_217 = tpu.memref_slice %arg6[%dma_wait3A_206, %dma_wait3A_215, %dma_wait3A_216] : memref<5x128x128xf32, #tpu.memory_space<vmem>> -> memref<1x128x128xf32, #tpu.memory_space<vmem>>
    %dma_wait3A_218 = tpu.memref_squeeze %dma_wait3A_217 : memref<1x128x128xf32, #tpu.memory_space<vmem>> -> memref<128x128xf32, #tpu.memory_space<vmem>>
    tpu.wait_dma2 semaphore(%arg13 : memref<!tpu.dma_semaphore, #tpu.memory_space<semaphore_mem>>) src(%dma_wait3A_218 : memref<128x128xf32, #tpu.memory_space<vmem>>) dst(%dma_wait3A_214 : memref<128x128xf32, #tpu.memory_space<hbm>>)
    %dma_wait3A_219 = arith.constant 1 : i32
    %dma_wait3A_220 = arith.constant 0 : i32
    %dma_wait3A_221 = arith.constant 0 : i32
    %dma_wait3A_222 = tpu.memref_slice %arg6[%dma_wait3A_219, %dma_wait3A_220, %dma_wait3A_221] : memref<5x128x128xf32, #tpu.memory_space<vmem>> -> memref<1x128x128xf32, #tpu.memory_space<vmem>>
    %dma_wait3A_223 = tpu.memref_squeeze %dma_wait3A_222 : memref<1x128x128xf32, #tpu.memory_space<vmem>> -> memref<128x128xf32, #tpu.memory_space<vmem>>
    %dma_wait3A_224 = arith.constant 0 : i32
    %dma_wait3A_225 = tpu.memref_slice %arg4[%mul3A_2, %dma_wait3A_224] : memref<204800x128xf32, #tpu.memory_space<hbm>> -> memref<128x128xf32, #tpu.memory_space<hbm>>
    %dma_wait3A_226 = arith.constant 0 : i32
    %dma_wait3A_227 = tpu.memref_slice %arg4[%mul3A_2, %dma_wait3A_226] : memref<204800x128xf32, #tpu.memory_space<hbm>> -> memref<128x128xf32, #tpu.memory_space<hbm>>
    %dma_wait3A_228 = arith.constant 0 : i32
    %dma_wait3A_229 = arith.constant 0 : i32
    %dma_wait3A_230 = tpu.memref_slice %arg6[%dma_wait3A_219, %dma_wait3A_228, %dma_wait3A_229] : memref<5x128x128xf32, #tpu.memory_space<vmem>> -> memref<1x128x128xf32, #tpu.memory_space<vmem>>
    %dma_wait3A_231 = tpu.memref_squeeze %dma_wait3A_230 : memref<1x128x128xf32, #tpu.memory_space<vmem>> -> memref<128x128xf32, #tpu.memory_space<vmem>>
    tpu.wait_dma2 semaphore(%arg14 : memref<!tpu.dma_semaphore, #tpu.memory_space<semaphore_mem>>) src(%dma_wait3A_231 : memref<128x128xf32, #tpu.memory_space<vmem>>) dst(%dma_wait3A_227 : memref<128x128xf32, #tpu.memory_space<hbm>>)
    %dma_wait3A_232 = arith.constant 2 : i32
    %dma_wait3A_233 = arith.constant 0 : i32
    %dma_wait3A_234 = arith.constant 0 : i32
    %dma_wait3A_235 = tpu.memref_slice %arg6[%dma_wait3A_232, %dma_wait3A_233, %dma_wait3A_234] : memref<5x128x128xf32, #tpu.memory_space<vmem>> -> memref<1x128x128xf32, #tpu.memory_space<vmem>>
    %dma_wait3A_236 = tpu.memref_squeeze %dma_wait3A_235 : memref<1x128x128xf32, #tpu.memory_space<vmem>> -> memref<128x128xf32, #tpu.memory_space<vmem>>
    %dma_wait3A_237 = arith.constant 0 : i32
    %dma_wait3A_238 = tpu.memref_slice %arg4[%mul3A_2, %dma_wait3A_237] : memref<204800x128xf32, #tpu.memory_space<hbm>> -> memref<128x128xf32, #tpu.memory_space<hbm>>
    %dma_wait3A_239 = arith.constant 0 : i32
    %dma_wait3A_240 = tpu.memref_slice %arg4[%mul3A_2, %dma_wait3A_239] : memref<204800x128xf32, #tpu.memory_space<hbm>> -> memref<128x128xf32, #tpu.memory_space<hbm>>
    %dma_wait3A_241 = arith.constant 0 : i32
    %dma_wait3A_242 = arith.constant 0 : i32
    %dma_wait3A_243 = tpu.memref_slice %arg6[%dma_wait3A_232, %dma_wait3A_241, %dma_wait3A_242] : memref<5x128x128xf32, #tpu.memory_space<vmem>> -> memref<1x128x128xf32, #tpu.memory_space<vmem>>
    %dma_wait3A_244 = tpu.memref_squeeze %dma_wait3A_243 : memref<1x128x128xf32, #tpu.memory_space<vmem>> -> memref<128x128xf32, #tpu.memory_space<vmem>>
    tpu.wait_dma2 semaphore(%arg15 : memref<!tpu.dma_semaphore, #tpu.memory_space<semaphore_mem>>) src(%dma_wait3A_244 : memref<128x128xf32, #tpu.memory_space<vmem>>) dst(%dma_wait3A_240 : memref<128x128xf32, #tpu.memory_space<hbm>>)
    %dma_wait3A_245 = arith.constant 3 : i32
    %dma_wait3A_246 = arith.constant 0 : i32
    %dma_wait3A_247 = arith.constant 0 : i32
    %dma_wait3A_248 = tpu.memref_slice %arg6[%dma_wait3A_245, %dma_wait3A_246, %dma_wait3A_247] : memref<5x128x128xf32, #tpu.memory_space<vmem>> -> memref<1x128x128xf32, #tpu.memory_space<vmem>>
    %dma_wait3A_249 = tpu.memref_squeeze %dma_wait3A_248 : memref<1x128x128xf32, #tpu.memory_space<vmem>> -> memref<128x128xf32, #tpu.memory_space<vmem>>
    %dma_wait3A_250 = arith.constant 0 : i32
    %dma_wait3A_251 = tpu.memref_slice %arg4[%mul3A_2, %dma_wait3A_250] : memref<204800x128xf32, #tpu.memory_space<hbm>> -> memref<128x128xf32, #tpu.memory_space<hbm>>
    %dma_wait3A_252 = arith.constant 0 : i32
    %dma_wait3A_253 = tpu.memref_slice %arg4[%mul3A_2, %dma_wait3A_252] : memref<204800x128xf32, #tpu.memory_space<hbm>> -> memref<128x128xf32, #tpu.memory_space<hbm>>
    %dma_wait3A_254 = arith.constant 0 : i32
    %dma_wait3A_255 = arith.constant 0 : i32
    %dma_wait3A_256 = tpu.memref_slice %arg6[%dma_wait3A_245, %dma_wait3A_254, %dma_wait3A_255] : memref<5x128x128xf32, #tpu.memory_space<vmem>> -> memref<1x128x128xf32, #tpu.memory_space<vmem>>
    %dma_wait3A_257 = tpu.memref_squeeze %dma_wait3A_256 : memref<1x128x128xf32, #tpu.memory_space<vmem>> -> memref<128x128xf32, #tpu.memory_space<vmem>>
    tpu.wait_dma2 semaphore(%arg16 : memref<!tpu.dma_semaphore, #tpu.memory_space<semaphore_mem>>) src(%dma_wait3A_257 : memref<128x128xf32, #tpu.memory_space<vmem>>) dst(%dma_wait3A_253 : memref<128x128xf32, #tpu.memory_space<hbm>>)
    %dma_wait3A_258 = arith.constant 4 : i32
    %dma_wait3A_259 = arith.constant 0 : i32
    %dma_wait3A_260 = arith.constant 0 : i32
    %dma_wait3A_261 = tpu.memref_slice %arg6[%dma_wait3A_258, %dma_wait3A_259, %dma_wait3A_260] : memref<5x128x128xf32, #tpu.memory_space<vmem>> -> memref<1x128x128xf32, #tpu.memory_space<vmem>>
    %dma_wait3A_262 = tpu.memref_squeeze %dma_wait3A_261 : memref<1x128x128xf32, #tpu.memory_space<vmem>> -> memref<128x128xf32, #tpu.memory_space<vmem>>
    %dma_wait3A_263 = arith.constant 0 : i32
    %dma_wait3A_264 = tpu.memref_slice %arg4[%mul3A_2, %dma_wait3A_263] : memref<204800x128xf32, #tpu.memory_space<hbm>> -> memref<128x128xf32, #tpu.memory_space<hbm>>
    %dma_wait3A_265 = arith.constant 0 : i32
    %dma_wait3A_266 = tpu.memref_slice %arg4[%mul3A_2, %dma_wait3A_265] : memref<204800x128xf32, #tpu.memory_space<hbm>> -> memref<128x128xf32, #tpu.memory_space<hbm>>
    %dma_wait3A_267 = arith.constant 0 : i32
    %dma_wait3A_268 = arith.constant 0 : i32
    %dma_wait3A_269 = tpu.memref_slice %arg6[%dma_wait3A_258, %dma_wait3A_267, %dma_wait3A_268] : memref<5x128x128xf32, #tpu.memory_space<vmem>> -> memref<1x128x128xf32, #tpu.memory_space<vmem>>
    %dma_wait3A_270 = tpu.memref_squeeze %dma_wait3A_269 : memref<1x128x128xf32, #tpu.memory_space<vmem>> -> memref<128x128xf32, #tpu.memory_space<vmem>>
    tpu.wait_dma2 semaphore(%arg17 : memref<!tpu.dma_semaphore, #tpu.memory_space<semaphore_mem>>) src(%dma_wait3A_270 : memref<128x128xf32, #tpu.memory_space<vmem>>) dst(%dma_wait3A_266 : memref<128x128xf32, #tpu.memory_space<hbm>>)
    return
  }
}

</mosaic_0001>

<sc_bundles>
// kernel: kernel.3.cloned.1.call-start
scs
__scs_entry_jumppad:
0x0: {  	(pc) =	sbr.rel $0x88, $3  }
0x1: {  	(tag) =	ssettag $0x0;
	lr =	simm.s32 $0x1  }
0x2: {  	[smem:$0x3F9F] =	sst lr;
	_ =	strace $0xD0000000  }
0x3: {  	_ = 	snop  }
0x4: {  	_ = 	snop  }
0x5: {  	_ = 	snop  }
0x6: {  	_ = 	snop  }
0x7: {  	_ = 	snop  }
__scs_overlays_trampoline_lowered:
0x8: {  	[smem:$0x3FAE] =	sst s0  }
0x9: {  	[smem:$0x3FAF] =	sst s1  }
0xa: {  	[smem:$0x3FB0] =	sst s2  }
0xb: {  	[smem:$0x3FB1] =	sst s3  }
0xc: {  	[smem:$0x3FB2] =	sst s4  }
0xd: {  	[smem:$0x3FB3] =	sst s5  }
0xe: {  	[smem:$0x3FB4] =	sst s6  }
0xf: {  	[smem:$0x3FB5] =	sst s7  }
0x10: {  	[smem:$0x3FB6] =	sst s8  }
0x11: {  	[smem:$0x3FB7] =	sst s9;
	s0 =	simm.s32 @!p0 $0x0  }
0x12: {  	s1 =	sld [smem:$0x3F9D];
	s0 =	simm.s32 @p0 $0x1  }
0x13: {  	[smem:$0x3FB8] =	sst s0;
	s0 =	simm.s32 @!p1 $0x0  }
0x14: {  	s2 =	sld [smem:$0x3F9C];
	s0 =	simm.s32 @p1 $0x1  }
0x15: {  	[smem:$0x3FB9] =	sst s0;
	s0 =	simm.s32 @!p2 $0x0  }
0x16: {  	s3 =	sld [smem:$0x3FDB];
	s0 =	simm.s32 @p2 $0x1  }
0x17: {  	s4 =	simm.s32 $0x1BF5;
	[smem:$0x3FBB] =	sst s0  }
0x18: {  	s0 =	sld [smem:$0x3F9E];
	_ =	swait.ge [sflag:s4], $0x0  }
0x19: {  	s7 =	sld [smem:$0x3F9F]  }
0x1a: {  	s8 =	sadd.s32 $0xFFFFE003, lr  }
0x1b: {  	s9 =	sadd.s32 $0xFFFFFEF7, lr;
	s5 =	simm.s32 $0xFFFFFFFF;
	p2 =	slt.u32 s8, $0xFFFFF086  }
0x1c: {  	p1 =	slt.u32 s9, $0xF7A;
	s5 =	simm.s32 @!p2 $0x0  }
0x1d: {  	s5 =	simm.s32 @p1 $0x1;
	p0 =	seq.s32 s7, s2  }
0x1e: {  	s7 =	smul.u32 @!p0 $0xF7A, s2;
	p2 =	seq.s32 @!p0 s5, $0x0  }
0x1f: {  	s9 =	smul.u32 $0xF7A, s1;
	s8 =	simm.s32 @!p0 $0x1BF5;
	p2 =	por !p2, p0  }
0x20: {  	[sflag:s8] =	ssyncset.s32 @!p0 $0xFFFFF086;
	s6 =	sadd.s32 @!p0 s3, s7;
	s7 =	simm.s32 @!p0 $0x108  }
0x21: {  	s3 =	sadd.s32 s3, s9;
	s6 =	sadd.s32 @!p0 $0x88, s6;
	s7 =	simm.s32 @p2 $0x1082  }
0x22: {  	[simem:s7], [sflag:s8] =	dma.local @!p0 [hbm:s6], $0xF7A  }
0x23: {  	s9 =	sor.u32 $0xD0000000, s2;
	s6 =	simm.s32 $0x108;
	_ =	swait.ge @!p0 [sflag:s8], $0x0  }
0x24: {  	s3 =	sadd.s32 $0x88, s3;
	s6 =	simm.s32 @!p1 $0x1082;
	[sflag:s4] =	ssyncset.s32 $0xFFFFF086  }
0x25: {  	[simem:s6], [sflag:s4] =	dma.local [hbm:s3], $0xF7A  }
0x26: {  	[smem:$0x3F9F] =	sst s1;
	(tag) =	ssettag s2;
	_ =	strace s9  }
0x27: {  	s1 =	sld [smem:$0x3FAF]  }
0x28: {  	s2 =	sld [smem:$0x3FB0]  }
0x29: {  	s4 =	sld [smem:$0x3FB2]  }
0x2a: {  	p0 =	seq.s32 s5, $0x0;
	s5 =	sld [smem:$0x3FB3]  }
0x2b: {  	s6 =	sld [smem:$0x3FB4]  }
0x2c: {  	s7 =	sld [smem:$0x3FB5]  }
0x2d: {  	s3 =	simm.s32 $0x108;
	s8 =	sld [smem:$0x3FB6]  }
0x2e: {  	s3 =	simm.s32 @!p0 $0x1082;
	s9 =	sld [smem:$0x3FB7]  }
0x2f: {  	lr =	sadd.s32 s0, s3;
	s0 =	sld [smem:$0x3FAE]  }
0x30: {  	s3 =	sld [smem:$0x3FB1]  }
0x31: {  	[smem:$0x3FBA] =	sst s10  }
0x32: {  	s10 =	sld [smem:$0x3FB8];
	_ =	sdelay $0x3  }
0x33: {  	p0 =	seq.s32 s10, $0x1;
	s10 =	sld [smem:$0x3FBA];
	_ =	sdelay $0x3  }
0x34: {  	[smem:$0x3FBA] =	sst s10  }
0x35: {  	s10 =	sld [smem:$0x3FB9];
	_ =	sdelay $0x3  }
0x36: {  	p1 =	seq.s32 s10, $0x1;
	s10 =	sld [smem:$0x3FBA];
	_ =	sdelay $0x3  }
0x37: {  	[smem:$0x3FBA] =	sst s10  }
0x38: {  	s10 =	sld [smem:$0x3FBB]  }
0x39: {  	_ = 	snop;
	(pc) =	sbr.ind lr, $3  }
0x3a: {  	_ = 	snop  }
0x3b: {  	_ = 	snop  }
0x3c: {  	p2 =	seq.s32 s10, $0x1;
	s10 =	sld [smem:$0x3FBA]  }
0x3d: {  	_ =	shalt  }
0x3e: {  	_ =	shalt  }
0x3f: {  	_ =	shalt  }
0x40: {  	_ =	shalt  }
0x41: {  	_ =	shalt  }
0x42: {  	_ =	shalt  }
0x43: {  	_ =	shalt  }
0x44: {  	_ =	shalt  }
0x45: {  	_ =	shalt  }
0x46: {  	_ =	shalt  }
0x47: {  	_ =	shalt  }
0x48: {  	_ =	shalt  }
0x49: {  	_ =	shalt  }
0x4a: {  	_ =	shalt  }
0x4b: {  	_ =	shalt  }
0x4c: {  	_ =	shalt  }
0x4d: {  	_ =	shalt  }
0x4e: {  	_ =	shalt  }
0x4f: {  	_ =	shalt  }
0x50: {  	_ =	shalt  }
0x51: {  	_ =	shalt  }
0x52: {  	_ =	shalt  }
0x53: {  	_ =	shalt  }
0x54: {  	_ =	shalt  }
0x55: {  	_ =	shalt  }
0x56: {  	_ =	shalt  }
0x57: {  	_ =	shalt  }
0x58: {  	_ =	shalt  }
0x59: {  	_ =	shalt  }
0x5a: {  	_ =	shalt  }
0x5b: {  	_ =	shalt  }
0x5c: {  	_ =	shalt  }
0x5d: {  	_ =	shalt  }
0x5e: {  	_ =	shalt  }
0x5f: {  	_ =	shalt  }
0x60: {  	_ =	shalt  }
0x61: {  	_ =	shalt  }
0x62: {  	_ =	shalt  }
0x63: {  	_ =	shalt  }
0x64: {  	_ =	shalt  }
0x65: {  	_ =	shalt  }
0x66: {  	_ =	shalt  }
0x67: {  	_ =	shalt  }
0x68: {  	_ =	shalt  }
0x69: {  	_ =	shalt  }
0x6a: {  	_ =	shalt  }
0x6b: {  	_ =	shalt  }
0x6c: {  	_ =	shalt  }
0x6d: {  	_ =	shalt  }
0x6e: {  	_ =	shalt  }
0x6f: {  	_ =	shalt  }
0x70: {  	_ =	shalt  }
0x71: {  	_ =	shalt  }
0x72: {  	_ =	shalt  }
0x73: {  	_ =	shalt  }
0x74: {  	_ =	shalt  }
0x75: {  	_ =	shalt  }
0x76: {  	_ =	shalt  }
0x77: {  	_ =	shalt  }
0x78: {  	_ =	shalt  }
0x79: {  	_ =	shalt  }
0x7a: {  	_ =	shalt  }
0x7b: {  	_ =	shalt  }
0x7c: {  	_ =	shalt  }
0x7d: {  	_ =	shalt  }
0x7e: {  	_ =	shalt  }
0x7f: {  	_ =	shalt  }
0x80: {  	_ =	shalt  }
0x81: {  	_ =	shalt  }
0x82: {  	_ =	shalt  }
0x83: {  	_ =	shalt  }
0x84: {  	_ =	shalt  }
0x85: {  	_ =	shalt  }
0x86: {  	_ =	shalt  }
0x87: {  	_ =	shalt  }
.Lfunc_end0:
.L_simem_size_0:
called_computation_lowered:
.L_overlay_start_0:
0x88: {  	s2 =	sld [smem:$0x3FD9]  }
0x89: {  	s3 =	sld [smem:$0x3FFE];
	_ =	sdelay $0x1  }
0x8a: {  	s1 =	srdreg.scid  }
0x8b: {  	s0 =	sand.u32 $0x1, s1  }
0x8c: {  	s17 =	sshll.u32 s0, $0xA;
	s2 =	sadd.s32 s3, s2  }
0x8d: {  	s2 =	sadd.s32 s2, s17  }
0x8e: {  	[smem:$0x3FC6] =	sst s2  }
0x8f: {  	_ = 	snop  }
0x90: {  	s2 =	sld [smem:$0x3FC8]  }
0x91: {  	s18 =	sld [smem:$0x3FD0];
	(tm) =	ssettm $0x1  }
0x92: {  	s4 =	sld [smem:$0x3FFB];
	_ =	sdelay $0x3  }
0x93: {  	_ =	strace s4  }
0x94: {  	s4 =	sld [smem:$0x3FFC];
	_ =	sdelay $0x3  }
0x95: {  	_ =	strace s4  }
0x96: {  	s4 =	sld [smem:$0x3FFD];
	_ =	sdelay $0x3  }
0x97: {  	_ =	strace s4  }
0x98: {  	_ =	strace $0x8FFFFFFF  }
0x99: {  	s19 =	sld [smem:$0x3FDB];
	_ =	sdelay $0x1  }
0x9a: {  	s5 =	simm.s32 $_scs_section_size  }
0x9b: {  	s6 =	simm.s32 $_size__tile_overlayer_lowered;
	s7 =	simm.s32 $_tile_overlayer_lowered  }
0x9c: {  	s22 =	simm.s32 $0x1BFF;
	s21 =	sshll.u32 s7, $0x1;
	s4 =	sadd.s32 s5, s19  }
0x9d: {  	s8 =	simm.s32 $0x0;
	s20 =	sshll.u32 s6, $0x1;
	s6 =	sadd.s32 s21, s4  }
0x9e: {  	[timem:s8], [sflag:s22] =	dma.local [hbm:s6], s20  }
0x9f: {  	_ =	swait.ge [sflag:s22], s20  }
0xa0: {  	s5 =	ssub.s32 $0x0, s20;
	[sflag:s22] =	ssyncset.done $0x0  }
0xa1: {  	[sflag:s22] =	ssyncadd.s32 s5;
	_ =	sdelay $0x1  }
0xa2: {  	s23 =	simm.s32 $0x1B8B  }
0xa3: {  	_ =	swait.ge [sflag:s23], $0x1  }
0xa4: {  	[sflag:s23] =	ssyncset.done $0x0  }
0xa5: {  	s25 =	simm.s32 $0x1B8E;
	s24 =	sld [smem:$0x3FFE];
	[sflag:s23] =	ssyncadd.s32 $0xFFFFFFFF  }
0xa6: {  	s26 =	simm.s32 $execute0_lowered;
	[smem:$0x3FD2] =	sst s25  }
0xa7: {  	s6 =	sshll.u32 s26, $0x1;
	_ =	strace $0x80000046;
	[dreg:$0x1] =	wrdreg $0xFFFFFFFF  }
0xa8: {  	s28 =	simm.s32 $_size_execute0_lowered;
	s4 =	sadd.s32 s4, s6;
	[dreg:$0x0] =	wrdreg $0x0  }
0xa9: {  	s6 =	sshll.u32 s28, $0x1;
	[dreg:$0x2] =	wrdreg s4  }
0xaa: {  	[dreg:$0x3] =	wrdreg s6  }
0xab: {  	[dreg:$0x4] =	wrdreg $0xC0  }
0xac: {  	_ =	task [dreg:s8], $0x5FFFF  }
0xad: {  	[dreg:$0x1] =	wrdreg $0xFFFFFFFF  }
0xae: {  	[dreg:$0x0] =	wrdreg $0x60  }
0xaf: {  	[dreg:$0x2] =	wrdreg s24  }
0xb0: {  	[dreg:$0x3] =	wrdreg s2  }
0xb1: {  	[dreg:$0x4] =	wrdreg s18  }
0xb2: {  	[dreg:$0x5] =	wrdreg $0x15C000  }
0xb3: {  	[dreg:$0x6] =	wrdreg $0x9  }
0xb4: {  	_ =	task.clear_ibuf [dreg:s8], $0x7FFFF;
	_ =	strace $0x90000046  }
0xb5: {  	s29 =	simm.s32 $0x9;
	_ =	strace $0x80000048  }
0xb6: {  	_ =	swait.ge [sflag:s29], $0x1  }
0xb7: {  	[sflag:s29] =	ssyncadd.s32 $0xFFFFFFFF  }
0xb8: {  	_ =	strace $0x90000048  }
0xb9: {  	_ =	sfence  }
0xba: {  	s30 =	sld [smem:$0x0];
	_ =	sdelay $0x2  }
0xbb: {  	s31 =	sshll.u32 s1, $0xD;
	s1 =	sshrl.u32 s1, $0x2  }
0xbc: {  	s3 =	sand.u32 $0x4000, s31;
	s1 =	sadd.s32 s1, s30  }
0xbd: {  	s0 =	sor.u32 s3, s0;
	s1 =	sshll.u32 s1, $0x11  }
0xbe: {  	s0 =	sor.u32 s1, s0  }
0xbf: {  	s0 =	sadd.s32 $0x8F2B, s0  }
0xc0: {  	[sflag:s0] =	ssyncadd.remote.s32 $0x1  }
0xc1: {  	_ =	sfence.sel $0xFFFF  }
0xc2: {  	[dreg:$0x0] =	wrdreg $0xFFFFFFFF;
	(pc) =	sbr.abs _section_cstart, $3  }
0xc3: {  	[dreg:$0x1] =	wrdreg $0xFFFFFFFF  }
0xc4: {  	_ =	task.clear_ibuf [dreg:s8], $0x2FFFF;
	_ =	strace $0x9FFFFFFF  }
0xc5: {  	(tm) =	ssettm $0x7FFFFFFF  }
tec
execute0_lowered:
.L_overlay_start_1:
0x0: {  	(tag) =	ssettag $0x1  }
0x1: {  	s0 =	rddreg [dreg:$0x0]  }
0x2: {  	s1 =	srdreg.scid;
	s9 =	rddreg [dreg:$0x2]  }
0x3: {  	s4 =	stileid.u32;
	s2 =	rddreg [dreg:$0x3]  }
0x4: {  	s13 =	simm.s32 $0xB;
	s14 =	simm.s32 $0x80;
	s15 =	simm.s32 $0x1C00  }
0x5: {  	s16 =	simm.s32 $0x5C00;
	s18 =	simm.s32 $0x9C00;
	s20 =	simm.s32 $0xDC00  }
0x6: {  	s22 =	simm.s32 $0x11C00;
	s23 =	simm.s32 $0x1;
	s24 =	simm.s32 $0x2  }
0x7: {  	s28 =	simm.s32 $0x5;
	s29 =	simm.s32 $0x6;
	s30 =	simm.s32 $0x7  }
0x8: {  	s31 =	simm.s32 $0x8;
	s17 =	simm.s32 $0x0;
	s1 =	sand.u32 $0x1, s1  }
0x9: {  	s3 =	sshll.u32 s4, $0x1;
	s11 =	smul.u32 $0x32000, s4;
	p0 =	sne.s32 s4, $0x0  }
0xa: {  	s5 =	sor.u32 s1, s3;
	s7 =	ssub.s32 $0x2, s1;
	s1 =	smul.u32 $0x19000, s1  }
0xb: {  	s3 =	simm.s32 $0x0;
	s12 =	sshrl.u32 @!p0 s2, $0x3;
	s6 =	smul.u32 $0x380, s5  }
0xc: {  	[smem:$0x7FF] =	sst s3;
	s5 =	smul.u32 $0xC8000, s5;
	s8 =	sshrl.u32 s7, $0x1  }
0xd: {  	s11 =	sadd.s32 s11, s9;
	_ =	strace $0x80000047;
	s10 =	ssub.s32 s7, s8  }
0xe: {  	s26 =	sadd.s32 s1, s11;
	s1 =	simm.s32 $0x9;
	s0 =	sadd.s32 s6, s0  }
0xf: {  	s5 =	sshrl.u32 s5, $0x3;
	s10 =	smax.u32 s10, $0x1;
	s11 =	sadd.s32 $0x2000, s26  }
0x10: {  	s26 =	simm.s32 $0x4;
	s0 =	sadd.s32 $0x400, s0;
	s25 =	sadd.s32 s9, s5  }
0x11: {  	[dreg:$0x5] =	wrdreg s0;
	s5 =	sadd.s32 $0x16800, s25;
	s6 =	sadd.s32 $0x17000, s25  }
0x12: {  	s7 =	sadd.s32 $0x17800, s25;
	s8 =	sadd.s32 $0x18000, s25;
	s9 =	sadd.s32 $0x18800, s25  }
0x13: {  	s25 =	simm.s32 $0x3;
	s0 =	simm.s32 $0xA;
	[dreg:$0x6] =	wrdreg s5  }
.LBB2_1:
0x14: {  	s4 =	simm.s32 @!p0 $0x1C0B;
	s5 =	rddreg [dreg:$0x1]  }
0x15: {  	[spmem:s12], [sflag:s4] =	dma.local @!p0 [hbm:s5], $0x640  }
0x16: {  	s4 =	simm.s32 @!p0 $0xB  }
0x17: {  	_ =	swait.ge @!p0 [sflag:s4], $0x640  }
0x18: {  	[sflag:s4] =	ssyncset.done @!p0 $0x0  }
0x19: {  	s5 =	rddreg [dreg:$0x5];
	[sflag:s4] =	ssyncadd.s32 @!p0 $0xFFFFF9C0  }
0x1a: {  	[tilespmem:s3], [sflag:$0xB] =	stream.linear.gather [hbm4b:s5+s3], $0x1900, $0x38;
	[tilespmem:$0x15F20] =	vst v63  }
0x1b: {  	_ =	swait.ge [sflag:s13], $0x1900  }
0x1c: {  	[sflag:s13] =	ssyncset.done $0x0  }
0x1d: {  	[sflag:s13] =	ssyncadd.s32 $0xFFFFE700  }
0x1e: {  	[bflag:$0x0] =	sbarrier.arrive $0xFFFF  }
0x1f: {  	[tilespmem:s15], [sflag:$0x1] =	stream.indirect.gather [spmem:s2], $0x80, s3, s14, $0xb8;
	[tilespmem:$0x15F20] =	vst v63  }
0x20: {  	_ = 	snop  }
0x21: {  	[tilespmem:s16], [sflag:$0x2] =	stream.indirect.gather [spmem:s2], $0x80, s14, s14, $0xb8;
	[tilespmem:$0x15F20] =	vst v63  }
0x22: {  	s19 =	simm.s32 $0x100  }
0x23: {  	[tilespmem:s18], [sflag:$0x3] =	stream.indirect.gather [spmem:s2], $0x80, s19, s14, $0xb8;
	[tilespmem:$0x15F20] =	vst v63  }
0x24: {  	s21 =	simm.s32 $0x180  }
0x25: {  	[tilespmem:s20], [sflag:$0x4] =	stream.indirect.gather [spmem:s2], $0x80, s21, s14, $0xb8;
	[tilespmem:$0x15F20] =	vst v63  }
0x26: {  	s5 =	simm.s32 $0x200  }
0x27: {  	[tilespmem:s22], [sflag:$0x5] =	stream.indirect.gather [spmem:s2], $0x80, s5, s14, $0xb8;
	[tilespmem:$0x15F20] =	vst v63  }
0x28: {  	_ =	swait.ge [sflag:s23], $0x4000  }
0x29: {  	[sflag:s23] =	ssyncset.done $0x0  }
0x2a: {  	s19 =	sadd.s32 $0xFFFFE000, s11;
	[sflag:s23] =	ssyncadd.s32 $0xFFFFC000  }
0x2b: {  	[hbm4b:s19+s3] =	stream.linear.scatter [tilespmem:s15], [sflag:$0x6], $0x4000, $0x38;
	[tilespmem:$0x15F20] =	vst v63  }
0x2c: {  	_ =	swait.ge [sflag:s24], $0x4000  }
0x2d: {  	[sflag:s24] =	ssyncset.done $0x0  }
0x2e: {  	s21 =	sadd.s32 $0xFFFFE800, s11;
	[sflag:s24] =	ssyncadd.s32 $0xFFFFC000  }
0x2f: {  	[hbm4b:s21+s3] =	stream.linear.scatter [tilespmem:s16], [sflag:$0x7], $0x4000, $0x38;
	[tilespmem:$0x15F20] =	vst v63  }
0x30: {  	_ =	swait.ge [sflag:s25], $0x4000  }
0x31: {  	[sflag:s25] =	ssyncset.done $0x0  }
0x32: {  	s5 =	sadd.s32 $0xFFFFF000, s11;
	[sflag:s25] =	ssyncadd.s32 $0xFFFFC000  }
0x33: {  	[hbm4b:s5+s3] =	stream.linear.scatter [tilespmem:s18], [sflag:$0x8], $0x4000, $0x38;
	[tilespmem:$0x15F20] =	vst v63  }
0x34: {  	_ =	swait.ge [sflag:s26], $0x4000  }
0x35: {  	[sflag:s26] =	ssyncset.done $0x0  }
0x36: {  	s19 =	sadd.s32 $0xFFFFF800, s11;
	[sflag:s26] =	ssyncadd.s32 $0xFFFFC000  }
0x37: {  	[hbm4b:s19+s3] =	stream.linear.scatter [tilespmem:s20], [sflag:$0x9], $0x4000, $0x38;
	[tilespmem:$0x15F20] =	vst v63  }
0x38: {  	_ =	swait.ge [sflag:s28], $0x4000  }
0x39: {  	[sflag:s28] =	ssyncset.done $0x0  }
0x3a: {  	[sflag:s28] =	ssyncadd.s32 $0xFFFFC000  }
0x3b: {  	[hbm4b:s11+s3] =	stream.linear.scatter [tilespmem:s22], [sflag:$0xA], $0x4000, $0x38;
	[tilespmem:$0x15F20] =	vst v63  }
0x3c: {  	_ =	swait.ge [sflag:s29], $0x4000  }
0x3d: {  	[sflag:s29] =	ssyncset.done $0x0  }
0x3e: {  	s21 =	simm.s32 $0x280;
	[sflag:s29] =	ssyncadd.s32 $0xFFFFC000  }
0x3f: {  	[tilespmem:s15], [sflag:$0x1] =	stream.indirect.gather [spmem:s2], $0x80, s21, s14, $0xb8;
	[tilespmem:$0x15F20] =	vst v63  }
0x40: {  	_ =	swait.ge [sflag:s30], $0x4000  }
0x41: {  	[sflag:s30] =	ssyncset.done $0x0  }
0x42: {  	s5 =	simm.s32 $0x300;
	[sflag:s30] =	ssyncadd.s32 $0xFFFFC000  }
0x43: {  	[tilespmem:s16], [sflag:$0x2] =	stream.indirect.gather [spmem:s2], $0x80, s5, s14, $0xb8;
	[tilespmem:$0x15F20] =	vst v63  }
0x44: {  	_ =	swait.ge [sflag:s31], $0x4000  }
0x45: {  	[sflag:s31] =	ssyncset.done $0x0  }
0x46: {  	s19 =	simm.s32 $0x380;
	[sflag:s31] =	ssyncadd.s32 $0xFFFFC000  }
0x47: {  	[tilespmem:s18], [sflag:$0x3] =	stream.indirect.gather [spmem:s2], $0x80, s19, s14, $0xb8;
	[tilespmem:$0x15F20] =	vst v63  }
0x48: {  	_ =	swait.ge [sflag:s1], $0x4000  }
0x49: {  	[sflag:s1] =	ssyncset.done $0x0  }
0x4a: {  	s21 =	simm.s32 $0x400;
	[sflag:s1] =	ssyncadd.s32 $0xFFFFC000  }
0x4b: {  	[tilespmem:s20], [sflag:$0x4] =	stream.indirect.gather [spmem:s2], $0x80, s21, s14, $0xb8;
	[tilespmem:$0x15F20] =	vst v63  }
0x4c: {  	_ =	swait.ge [sflag:s0], $0x4000  }
0x4d: {  	s4 =	simm.s32 $0x480;
	[sflag:s0] =	ssyncset.done $0x0  }
0x4e: {  	s19 =	simm.s32 $0xA00;
	s21 =	sadd.s32 $0x2800, s11;
	[sflag:s0] =	ssyncadd.s32 $0xFFFFC000  }
.LBB2_2:
0x4f: {  	[tilespmem:s22], [sflag:$0x5] =	stream.indirect.gather [spmem:s2], $0x80, s4, s14, $0xb8;
	[tilespmem:$0x15F20] =	vst v63  }
0x50: {  	s4 =	smov.u32 s19  }
0x51: {  	p1 =	sne.s32 s19, $0x5000;
	s19 =	sadd.s32 $0xA00, s19;
	_ =	swait.ge [sflag:s23], $0x4000  }
0x52: {  	[sflag:s23] =	ssyncset.done $0x0  }
0x53: {  	s5 =	sadd.s32 $0xFFFFE000, s21;
	[sflag:s23] =	ssyncadd.s32 $0xFFFFC000  }
0x54: {  	[hbm4b:s5+s3] =	stream.linear.scatter [tilespmem:s15], [sflag:$0x6], $0x4000, $0x38;
	[tilespmem:$0x15F20] =	vst v63  }
0x55: {  	_ =	swait.ge [sflag:s24], $0x4000  }
0x56: {  	[sflag:s24] =	ssyncset.done $0x0  }
0x57: {  	s5 =	sadd.s32 $0xFFFFE800, s21;
	[sflag:s24] =	ssyncadd.s32 $0xFFFFC000  }
0x58: {  	[hbm4b:s5+s3] =	stream.linear.scatter [tilespmem:s16], [sflag:$0x7], $0x4000, $0x38;
	[tilespmem:$0x15F20] =	vst v63  }
0x59: {  	_ =	swait.ge [sflag:s25], $0x4000  }
0x5a: {  	[sflag:s25] =	ssyncset.done $0x0  }
0x5b: {  	s5 =	sadd.s32 $0xFFFFF000, s21;
	[sflag:s25] =	ssyncadd.s32 $0xFFFFC000  }
0x5c: {  	[hbm4b:s5+s3] =	stream.linear.scatter [tilespmem:s18], [sflag:$0x8], $0x4000, $0x38;
	[tilespmem:$0x15F20] =	vst v63  }
0x5d: {  	_ =	swait.ge [sflag:s26], $0x4000  }
0x5e: {  	[sflag:s26] =	ssyncset.done $0x0  }
0x5f: {  	s5 =	sadd.s32 $0xFFFFF800, s21;
	[sflag:s26] =	ssyncadd.s32 $0xFFFFC000  }
0x60: {  	[hbm4b:s5+s3] =	stream.linear.scatter [tilespmem:s20], [sflag:$0x9], $0x4000, $0x38;
	[tilespmem:$0x15F20] =	vst v63  }
0x61: {  	_ =	swait.ge [sflag:s28], $0x4000  }
0x62: {  	[sflag:s28] =	ssyncset.done $0x0  }
0x63: {  	[sflag:s28] =	ssyncadd.s32 $0xFFFFC000  }
0x64: {  	[hbm4b:s21+s3] =	stream.linear.scatter [tilespmem:s22], [sflag:$0xA], $0x4000, $0x38;
	[tilespmem:$0x15F20] =	vst v63  }
0x65: {  	_ =	swait.ge [sflag:s29], $0x4000  }
0x66: {  	s4 =	sshra.s32 s4, $0x2;
	[sflag:s29] =	ssyncset.done $0x0  }
0x67: {  	s5 =	sadd.s32 $0x280, s4;
	[sflag:s29] =	ssyncadd.s32 $0xFFFFC000  }
0x68: {  	[tilespmem:s15], [sflag:$0x1] =	stream.indirect.gather [spmem:s2], $0x80, s5, s14, $0xb8;
	[tilespmem:$0x15F20] =	vst v63  }
0x69: {  	_ =	swait.ge [sflag:s30], $0x4000  }
0x6a: {  	[sflag:s30] =	ssyncset.done $0x0  }
0x6b: {  	s5 =	sadd.s32 $0x300, s4;
	[sflag:s30] =	ssyncadd.s32 $0xFFFFC000  }
0x6c: {  	[tilespmem:s16], [sflag:$0x2] =	stream.indirect.gather [spmem:s2], $0x80, s5, s14, $0xb8;
	[tilespmem:$0x15F20] =	vst v63  }
0x6d: {  	_ =	swait.ge [sflag:s31], $0x4000  }
0x6e: {  	[sflag:s31] =	ssyncset.done $0x0  }
0x6f: {  	s5 =	sadd.s32 $0x380, s4;
	[sflag:s31] =	ssyncadd.s32 $0xFFFFC000  }
0x70: {  	[tilespmem:s18], [sflag:$0x3] =	stream.indirect.gather [spmem:s2], $0x80, s5, s14, $0xb8;
	[tilespmem:$0x15F20] =	vst v63  }
0x71: {  	_ =	swait.ge [sflag:s1], $0x4000  }
0x72: {  	[sflag:s1] =	ssyncset.done $0x0  }
.Ltmp0:
0x73: {  	s5 =	sadd.s32 $0x400, s4;
	[sflag:s1] =	ssyncadd.s32 $0xFFFFC000;
	(pc) =	sbr.rel @p1 .LBB2_2-.Ltmp0, $4  }
0x74: {  	[tilespmem:s20], [sflag:$0x4] =	stream.indirect.gather [spmem:s2], $0x80, s5, s14, $0xb8;
	[tilespmem:$0x15F20] =	vst v63  }
0x75: {  	_ =	swait.ge [sflag:s0], $0x4000  }
0x76: {  	[sflag:s0] =	ssyncset.done $0x0  }
0x77: {  	s21 =	sadd.s32 $0x2800, s21;
	s4 =	sadd.s32 $0x480, s4;
	[sflag:s0] =	ssyncadd.s32 $0xFFFFC000  }
0x78: {  	[tilespmem:s22], [sflag:$0x5] =	stream.indirect.gather [spmem:s2], $0x80, s4, s14, $0xb8;
	[tilespmem:$0x15F20] =	vst v63  }
0x79: {  	_ =	swait.ge [sflag:s23], $0x4000  }
0x7a: {  	[sflag:s23] =	ssyncset.done $0x0  }
0x7b: {  	s21 =	rddreg [dreg:$0x6];
	[sflag:s23] =	ssyncadd.s32 $0xFFFFC000  }
0x7c: {  	[hbm4b:s21+s3] =	stream.linear.scatter [tilespmem:s15], [sflag:$0x6], $0x4000, $0x38;
	[tilespmem:$0x15F20] =	vst v63  }
0x7d: {  	_ =	swait.ge [sflag:s24], $0x4000  }
0x7e: {  	[sflag:s24] =	ssyncset.done $0x0  }
0x7f: {  	[sflag:s24] =	ssyncadd.s32 $0xFFFFC000  }
0x80: {  	[hbm4b:s6+s3] =	stream.linear.scatter [tilespmem:s16], [sflag:$0x7], $0x4000, $0x38;
	[tilespmem:$0x15F20] =	vst v63  }
0x81: {  	_ =	swait.ge [sflag:s25], $0x4000  }
0x82: {  	[sflag:s25] =	ssyncset.done $0x0  }
0x83: {  	[sflag:s25] =	ssyncadd.s32 $0xFFFFC000  }
0x84: {  	[hbm4b:s7+s3] =	stream.linear.scatter [tilespmem:s18], [sflag:$0x8], $0x4000, $0x38;
	[tilespmem:$0x15F20] =	vst v63  }
0x85: {  	_ =	swait.ge [sflag:s26], $0x4000  }
0x86: {  	[sflag:s26] =	ssyncset.done $0x0  }
0x87: {  	[sflag:s26] =	ssyncadd.s32 $0xFFFFC000  }
0x88: {  	[hbm4b:s8+s3] =	stream.linear.scatter [tilespmem:s20], [sflag:$0x9], $0x4000, $0x38;
	[tilespmem:$0x15F20] =	vst v63  }
0x89: {  	_ =	swait.ge [sflag:s28], $0x4000  }
0x8a: {  	[sflag:s28] =	ssyncset.done $0x0  }
0x8b: {  	[sflag:s28] =	ssyncadd.s32 $0xFFFFC000  }
0x8c: {  	[hbm4b:s9+s3] =	stream.linear.scatter [tilespmem:s22], [sflag:$0xA], $0x4000, $0x38;
	[tilespmem:$0x15F20] =	vst v63  }
0x8d: {  	_ =	swait.ge [sflag:s29], $0x4000  }
0x8e: {  	[sflag:s29] =	ssyncset.done $0x0  }
0x8f: {  	[sflag:s29] =	ssyncadd.s32 $0xFFFFC000  }
0x90: {  	_ =	swait.ge [sflag:s30], $0x4000  }
0x91: {  	[sflag:s30] =	ssyncset.done $0x0  }
0x92: {  	[sflag:s30] =	ssyncadd.s32 $0xFFFFC000  }
0x93: {  	_ =	swait.ge [sflag:s31], $0x4000  }
0x94: {  	[sflag:s31] =	ssyncset.done $0x0  }
0x95: {  	s17 =	sadd.s32 $0x1, s17;
	[sflag:s31] =	ssyncadd.s32 $0xFFFFC000  }
0x96: {  	p1 =	sne.s32 s17, s10;
	_ =	swait.ge [sflag:s1], $0x4000  }
.Ltmp1:
0x97: {  	[sflag:s1] =	ssyncset.done $0x0;
	(pc) =	sbr.rel @p1 .LBB2_1-.Ltmp1, $4  }
0x98: {  	[sflag:s1] =	ssyncadd.s32 $0xFFFFC000  }
0x99: {  	_ =	swait.ge [sflag:s0], $0x4000  }
0x9a: {  	[sflag:s0] =	ssyncset.done $0x0  }
0x9b: {  	[sflag:s0] =	ssyncadd.s32 $0xFFFFC000  }
0x9c: {  	_ =	sfence.sel $0x180000  }
0x9d: {  	[bflag:$0x0] =	sbarrier.arrive $0xFFFF  }
0x9e: {  	_ =	strace $0x90000047  }
0x9f: {  	[bflag:$0x2] =	sbarrier.arrive $0xFFFF  }
0xa0: {  	s0 =	rddreg [dreg:$0x4]  }
0xa1: {  	s0 =	sadd.s32 @!p0 $0x100000, s0  }
0xa2: {  	[sflag:s0] =	ssyncadd.tile.s32 @!p0 $0x1;
	_ =	shalt  }
.Lfunc_end2:
_tile_overlayer_lowered:
.L_overlay_start_2:
0xa3: {  	(tag) =	ssettag $0x2  }
0xa4: {  	s0 =	rddreg [dreg:$0x0];
	s2 =	stileid.u32  }
0xa5: {  	s1 =	rddreg [dreg:$0x1];
	p0 =	sne.s32 s2, $0x0  }
0xa6: {  	s3 =	rddreg [dreg:$0x2];
	[bflag:$0x3] =	sbarrier.arrive $0xFFFF;
	s2 =	simm.s32 @!p0 $0x1C0B  }
0xa7: {  	[timem:s3], [sflag:s2] =	dma.local @!p0 [hbm:s0], s1  }
0xa8: {  	s0 =	simm.s32 @!p0 $0xB  }
0xa9: {  	_ =	swait.ge @!p0 [sflag:s0], s1  }
0xaa: {  	s1 =	ssub.s32 @!p0 $0x0, s1;
	[sflag:s0] =	ssyncset.done @!p0 $0x0  }
0xab: {  	[sflag:s0] =	ssyncadd.s32 @!p0 s1  }
0xac: {  	[bflag:$0x3] =	sbarrier.arrive $0xFFFF  }
0xad: {  	_ =	shalt  }

</sc_bundles>
